<compile_context>
chip_gen: v7x
topology: tpu7x:2x2x1
jax: 0.10.2.dev20260603
libtpu: 0.0.44.dev20260713+nightly
codegen_flags: <defaults>
</compile_context>

<pallas_src>
import functools

import jax
import jax.numpy as jnp
from jax import lax
from jax.experimental import pallas as pl
from jax.experimental.pallas import tpu as pltpu
from jax.experimental.pallas import tpu_sc as plsc

BATCH = 16384
FIELDS = 26
IN_DIM = 1000000
NC = 2
NS = 16
NW = NC * NS
BPW = BATCH // NW
NPW = BPW * FIELDS
LANES = 16

_mesh = plsc.VectorSubcoreMesh(core_axis_name="c", subcore_axis_name="s")

_SCRATCH = [
    pltpu.VMEM((NPW,), jnp.int32),
    pltpu.VMEM((NPW,), jnp.float32),
    pltpu.VMEM((NPW,), jnp.float32),
    pltpu.VMEM((BPW,), jnp.float32),
    pltpu.VMEM((LANES,), jnp.float32),
    pltpu.VMEM_SHARED((1, IN_DIM), jnp.float32),
    pltpu.SemaphoreType.DMA,
    pltpu.SemaphoreType.DMA,
]

WCP = 8
WCN = IN_DIM // WCP


def _fl_body(idx_hbm, val_hbm, w_hbm, b_hbm, out_hbm,
             idx_v, val_v, emb_v, out_v, bias_v, wsp_v, sem, sem2):
    sid = lax.axis_index("s")
    wid = sid * NC + lax.axis_index("c")
    row0 = wid * BPW

    @pl.when(sid < WCP)
    def _():
        pltpu.sync_copy(w_hbm.at[0].at[pl.ds(sid * WCN, WCN)],
                        wsp_v.at[0].at[pl.ds(sid * WCN, WCN)])

    copies = []
    for f in range(FIELDS):
        copies.append(pltpu.async_copy(
            idx_hbm.at[pl.ds(f * BATCH + row0, BPW)],
            idx_v.at[pl.ds(f * BPW, BPW)], sem))
        copies.append(pltpu.async_copy(
            val_hbm.at[pl.ds(f * BATCH + row0, BPW)],
            val_v.at[pl.ds(f * BPW, BPW)], sem2))
    pltpu.sync_copy(b_hbm, bias_v.at[pl.ds(0, 1)])
    for c in copies:
        c.wait()

    plsc.subcore_barrier()
    w_flat = wsp_v.at[0]
    pltpu.async_copy(w_flat.at[idx_v], emb_v, sem).wait()

    bias_s = bias_v[...][0]

    def chunk_body(c, carry):
        b0 = c * LANES
        acc = jnp.zeros((LANES,), jnp.float32)
        for f in range(FIELDS):
            e = emb_v[pl.ds(f * BPW + b0, LANES)]
            v = val_v[pl.ds(f * BPW + b0, LANES)]
            acc = acc + e * v
        out_v[pl.ds(b0, LANES)] = acc + bias_s
        return carry

    lax.fori_loop(0, BPW // LANES, chunk_body, 0)

    pltpu.sync_copy(out_v, out_hbm.at[pl.ds(row0, BPW)])


_fl_kernel = functools.partial(
    pl.kernel,
    mesh=_mesh,
    out_type=jax.ShapeDtypeStruct((BATCH,), jnp.float32),
    scratch_types=_SCRATCH,
    compiler_params=pltpu.CompilerParams(
        needs_layout_passes=False, use_tc_tiling_on_sc=False),
)(_fl_body)


def kernel(idx, val, fc_weight, bias):
    out = _fl_kernel(idx.T.reshape(-1), val.T.reshape(-1),
                     fc_weight.reshape(1, IN_DIM), bias)
    return out.reshape(BATCH, 1)

# --- scband reference (transcript-rebuilt; emitter-appended) ---
"""Pipeline reference for scband-features-linear-52003464020248 (READ-ONLY COPY).

The authoritative reference and input builder live on the scoring server;
editing this copy changes nothing except your own understanding.
"""

import jax, jax.numpy as jnp
import numpy as np

IN_DIM = 1000000
OUT_DIM = 1
BATCH = 16384
FIELDS = 26

def setup_inputs(seed: int = 0) -> dict:
    key = jax.random.key(seed)
    k1, k2, k3 = jax.random.split(key, 3)
    idx = jax.random.randint(k1, (BATCH, FIELDS), 0, IN_DIM, dtype=jnp.int64 if jax.config.jax_enable_x64 else jnp.int32).astype(jnp.int32)
    val = jax.random.uniform(k2, (BATCH, FIELDS), dtype=jnp.float32)
    fc_weight = jax.random.normal(k3, (IN_DIM, OUT_DIM), dtype=jnp.float32) * 0.01
    bias = jnp.zeros((OUT_DIM,), dtype=jnp.float32)
    return {"idx": idx, "val": val, "fc_weight": fc_weight, "bias": bias}

def reference(idx, val, fc_weight, bias):
    # embedding lookup: (B, F, OUT_DIM)
    emb = jnp.take(fc_weight, idx, axis=0)
    # weighted sum over fields + bias -> (B, OUT_DIM)
    out = (emb * val[:, :, None]).sum(axis=1) + bias
    return out

if __name__ == "__main__":
    import jax
    _d = setup_inputs()
    print(jax.jit(kernel)(*tuple(_d.values())))

</pallas_src>

<mosaic_0001>
#map = affine_map<(d0, d1) -> (0)>
#map1 = affine_map<(d0, d1) -> (0, 0)>
module attributes {stable_mosaic.version = 14 : i64} {
  func.func @_fl_body(%arg0: i32, %arg1: i32, %arg2: memref<425984xi32, #tpu.memory_space<hbm>>, %arg3: memref<425984xf32, #tpu.memory_space<hbm>>, %arg4: memref<1x1000000xf32, #tpu.memory_space<hbm>>, %arg5: memref<1xf32, #tpu.memory_space<hbm>>, %arg6: memref<16384xf32, #tpu.memory_space<hbm>>, %arg7: memref<13312xi32, #tpu.memory_space<vmem>>, %arg8: memref<13312xf32, #tpu.memory_space<vmem>>, %arg9: memref<13312xf32, #tpu.memory_space<vmem>>, %arg10: memref<512xf32, #tpu.memory_space<vmem>>, %arg11: memref<16xf32, #tpu.memory_space<vmem>>, %arg12: memref<1x1000000xf32, #tpu.memory_space<vmem_shared>>, %arg13: memref<!tpu.dma_semaphore, #tpu.memory_space<semaphore_mem>>, %arg14: memref<!tpu.dma_semaphore, #tpu.memory_space<semaphore_mem>>) attributes {dimension_semantics = [#tpu.dimension_semantics<core_parallel>, #tpu.dimension_semantics<subcore_parallel>], iteration_bounds = array<i64: 2, 16>, scalar_prefetch = 0 : i64, scratch_operands = 8 : i64, tpu.core_type = #tpu.core_type<sc_vector_subcore>, window_params = [{transform_indices = #map}, {transform_indices = #map}, {transform_indices = #map1}, {transform_indices = #map}, {transform_indices = #map}]} {
    %mul3A = arith.constant 2 : i32
    %mul3A_0 = arith.muli %arg1, %mul3A : i32
    %add3A = arith.addi %mul3A_0, %arg0 : i32
    %mul3A_1 = arith.constant 512 : i32
    %mul3A_2 = arith.muli %add3A, %mul3A_1 : i32
    %lt3A = arith.constant 8 : i32
    %lt3A_3 = arith.cmpi slt, %arg1, %lt3A : i32
    %convert_element_type3A = arith.extui %lt3A_3 : i1 to i32
    %cond3A = arith.constant 0 : i32
    %cond3A_4 = arith.cmpi ne, %convert_element_type3A, %cond3A : i32
    scf.if %cond3A_4 {
      %mul3A_749 = arith.constant 125000 : i32
      %mul3A_750 = arith.muli %arg1, %mul3A_749 : i32
      %mul3A_751 = arith.constant 125000 : i32
      %mul3A_752 = arith.muli %arg1, %mul3A_751 : i32
      %run_scoped3A = arith.constant 0 : i32
      %run_scoped3A_753 = arith.constant 0 : i32
      "tpu.region"() ({
        %run_scoped3A_754 = tpu.sem_alloc : memref<!tpu.dma_semaphore, #tpu.memory_space<semaphore_mem>>
        %dma_start3A_755 = arith.constant 0 : i32
        %dma_start3A_756 = tpu.memref_slice %arg12[%run_scoped3A_753, %dma_start3A_755] : memref<1x1000000xf32, #tpu.memory_space<vmem_shared>> -> memref<1x1000000xf32, #tpu.memory_space<vmem_shared>>
        %dma_start3A_757 = tpu.memref_squeeze %dma_start3A_756 : memref<1x1000000xf32, #tpu.memory_space<vmem_shared>> -> memref<1000000xf32, #tpu.memory_space<vmem_shared>>
        %dma_start3A_758 = tpu.memref_slice %dma_start3A_757[%mul3A_752] : memref<1000000xf32, #tpu.memory_space<vmem_shared>> -> memref<125000xf32, #tpu.memory_space<vmem_shared>>
        %dma_start3A_759 = arith.constant 0 : i32
        %dma_start3A_760 = tpu.memref_slice %arg4[%run_scoped3A, %dma_start3A_759] : memref<1x1000000xf32, #tpu.memory_space<hbm>> -> memref<1x1000000xf32, #tpu.memory_space<hbm>>
        %dma_start3A_761 = tpu.memref_squeeze %dma_start3A_760 : memref<1x1000000xf32, #tpu.memory_space<hbm>> -> memref<1000000xf32, #tpu.memory_space<hbm>>
        %dma_start3A_762 = tpu.memref_slice %dma_start3A_761[%mul3A_750] : memref<1000000xf32, #tpu.memory_space<hbm>> -> memref<125000xf32, #tpu.memory_space<hbm>>
        tpu.enqueue_dma source(%dma_start3A_762 : memref<125000xf32, #tpu.memory_space<hbm>>) target(%dma_start3A_758 : memref<125000xf32, #tpu.memory_space<vmem_shared>>) target_semaphore(%run_scoped3A_754 : memref<!tpu.dma_semaphore, #tpu.memory_space<semaphore_mem>>)
        %dma_wait3A_763 = arith.constant 0 : i32
        %dma_wait3A_764 = tpu.memref_slice %arg12[%run_scoped3A_753, %dma_wait3A_763] : memref<1x1000000xf32, #tpu.memory_space<vmem_shared>> -> memref<1x1000000xf32, #tpu.memory_space<vmem_shared>>
        %dma_wait3A_765 = tpu.memref_squeeze %dma_wait3A_764 : memref<1x1000000xf32, #tpu.memory_space<vmem_shared>> -> memref<1000000xf32, #tpu.memory_space<vmem_shared>>
        %dma_wait3A_766 = tpu.memref_slice %dma_wait3A_765[%mul3A_752] : memref<1000000xf32, #tpu.memory_space<vmem_shared>> -> memref<125000xf32, #tpu.memory_space<vmem_shared>>
        %dma_wait3A_767 = arith.constant 0 : i32
        %dma_wait3A_768 = tpu.memref_slice %arg4[%run_scoped3A, %dma_wait3A_767] : memref<1x1000000xf32, #tpu.memory_space<hbm>> -> memref<1x1000000xf32, #tpu.memory_space<hbm>>
        %dma_wait3A_769 = tpu.memref_squeeze %dma_wait3A_768 : memref<1x1000000xf32, #tpu.memory_space<hbm>> -> memref<1000000xf32, #tpu.memory_space<hbm>>
        %dma_wait3A_770 = tpu.memref_slice %dma_wait3A_769[%mul3A_750] : memref<1000000xf32, #tpu.memory_space<hbm>> -> memref<125000xf32, #tpu.memory_space<hbm>>
        tpu.wait_dma2 semaphore(%run_scoped3A_754 : memref<!tpu.dma_semaphore, #tpu.memory_space<semaphore_mem>>) src(%dma_wait3A_770 : memref<125000xf32, #tpu.memory_space<hbm>>) dst(%dma_wait3A_766 : memref<125000xf32, #tpu.memory_space<vmem_shared>>)
        tpu.yield
      }) : () -> ()
    } else {
    }
    %add3A_5 = arith.constant 0 : i32
    %add3A_6 = arith.addi %add3A_5, %mul3A_2 : i32
    %dma_start3A = arith.constant 0 : i32
    %dma_start3A_7 = tpu.memref_slice %arg7[%dma_start3A] : memref<13312xi32, #tpu.memory_space<vmem>> -> memref<512xi32, #tpu.memory_space<vmem>>
    %dma_start3A_8 = tpu.memref_slice %arg2[%add3A_6] : memref<425984xi32, #tpu.memory_space<hbm>> -> memref<512xi32, #tpu.memory_space<hbm>>
    %dma_start3A_9 = arith.constant 0 : i32
    %dma_start3A_10 = tpu.memref_slice %arg7[%dma_start3A_9] : memref<13312xi32, #tpu.memory_space<vmem>> -> memref<512xi32, #tpu.memory_space<vmem>>
    %dma_start3A_11 = tpu.memref_slice %arg2[%add3A_6] : memref<425984xi32, #tpu.memory_space<hbm>> -> memref<512xi32, #tpu.memory_space<hbm>>
    tpu.enqueue_dma source(%dma_start3A_11 : memref<512xi32, #tpu.memory_space<hbm>>) target(%dma_start3A_10 : memref<512xi32, #tpu.memory_space<vmem>>) target_semaphore(%arg13 : memref<!tpu.dma_semaphore, #tpu.memory_space<semaphore_mem>>)
    %add3A_12 = arith.constant 0 : i32
    %add3A_13 = arith.addi %add3A_12, %mul3A_2 : i32
    %dma_start3A_14 = arith.constant 0 : i32
    %dma_start3A_15 = tpu.memref_slice %arg8[%dma_start3A_14] : memref<13312xf32, #tpu.memory_space<vmem>> -> memref<512xf32, #tpu.memory_space<vmem>>
    %dma_start3A_16 = tpu.memref_slice %arg3[%add3A_13] : memref<425984xf32, #tpu.memory_space<hbm>> -> memref<512xf32, #tpu.memory_space<hbm>>
    %dma_start3A_17 = arith.constant 0 : i32
    %dma_start3A_18 = tpu.memref_slice %arg8[%dma_start3A_17] : memref<13312xf32, #tpu.memory_space<vmem>> -> memref<512xf32, #tpu.memory_space<vmem>>
    %dma_start3A_19 = tpu.memref_slice %arg3[%add3A_13] : memref<425984xf32, #tpu.memory_space<hbm>> -> memref<512xf32, #tpu.memory_space<hbm>>
    tpu.enqueue_dma source(%dma_start3A_19 : memref<512xf32, #tpu.memory_space<hbm>>) target(%dma_start3A_18 : memref<512xf32, #tpu.memory_space<vmem>>) target_semaphore(%arg14 : memref<!tpu.dma_semaphore, #tpu.memory_space<semaphore_mem>>)
    %add3A_20 = arith.constant 16384 : i32
    %add3A_21 = arith.addi %add3A_20, %mul3A_2 : i32
    %dma_start3A_22 = arith.constant 512 : i32
    %dma_start3A_23 = tpu.memref_slice %arg7[%dma_start3A_22] : memref<13312xi32, #tpu.memory_space<vmem>> -> memref<512xi32, #tpu.memory_space<vmem>>
    %dma_start3A_24 = tpu.memref_slice %arg2[%add3A_21] : memref<425984xi32, #tpu.memory_space<hbm>> -> memref<512xi32, #tpu.memory_space<hbm>>
    %dma_start3A_25 = arith.constant 512 : i32
    %dma_start3A_26 = tpu.memref_slice %arg7[%dma_start3A_25] : memref<13312xi32, #tpu.memory_space<vmem>> -> memref<512xi32, #tpu.memory_space<vmem>>
    %dma_start3A_27 = tpu.memref_slice %arg2[%add3A_21] : memref<425984xi32, #tpu.memory_space<hbm>> -> memref<512xi32, #tpu.memory_space<hbm>>
    tpu.enqueue_dma source(%dma_start3A_27 : memref<512xi32, #tpu.memory_space<hbm>>) target(%dma_start3A_26 : memref<512xi32, #tpu.memory_space<vmem>>) target_semaphore(%arg13 : memref<!tpu.dma_semaphore, #tpu.memory_space<semaphore_mem>>)
    %add3A_28 = arith.constant 16384 : i32
    %add3A_29 = arith.addi %add3A_28, %mul3A_2 : i32
    %dma_start3A_30 = arith.constant 512 : i32
    %dma_start3A_31 = tpu.memref_slice %arg8[%dma_start3A_30] : memref<13312xf32, #tpu.memory_space<vmem>> -> memref<512xf32, #tpu.memory_space<vmem>>
    %dma_start3A_32 = tpu.memref_slice %arg3[%add3A_29] : memref<425984xf32, #tpu.memory_space<hbm>> -> memref<512xf32, #tpu.memory_space<hbm>>
    %dma_start3A_33 = arith.constant 512 : i32
    %dma_start3A_34 = tpu.memref_slice %arg8[%dma_start3A_33] : memref<13312xf32, #tpu.memory_space<vmem>> -> memref<512xf32, #tpu.memory_space<vmem>>
    %dma_start3A_35 = tpu.memref_slice %arg3[%add3A_29] : memref<425984xf32, #tpu.memory_space<hbm>> -> memref<512xf32, #tpu.memory_space<hbm>>
    tpu.enqueue_dma source(%dma_start3A_35 : memref<512xf32, #tpu.memory_space<hbm>>) target(%dma_start3A_34 : memref<512xf32, #tpu.memory_space<vmem>>) target_semaphore(%arg14 : memref<!tpu.dma_semaphore, #tpu.memory_space<semaphore_mem>>)
    %add3A_36 = arith.constant 32768 : i32
    %add3A_37 = arith.addi %add3A_36, %mul3A_2 : i32
    %dma_start3A_38 = arith.constant 1024 : i32
    %dma_start3A_39 = tpu.memref_slice %arg7[%dma_start3A_38] : memref<13312xi32, #tpu.memory_space<vmem>> -> memref<512xi32, #tpu.memory_space<vmem>>
    %dma_start3A_40 = tpu.memref_slice %arg2[%add3A_37] : memref<425984xi32, #tpu.memory_space<hbm>> -> memref<512xi32, #tpu.memory_space<hbm>>
    %dma_start3A_41 = arith.constant 1024 : i32
    %dma_start3A_42 = tpu.memref_slice %arg7[%dma_start3A_41] : memref<13312xi32, #tpu.memory_space<vmem>> -> memref<512xi32, #tpu.memory_space<vmem>>
    %dma_start3A_43 = tpu.memref_slice %arg2[%add3A_37] : memref<425984xi32, #tpu.memory_space<hbm>> -> memref<512xi32, #tpu.memory_space<hbm>>
    tpu.enqueue_dma source(%dma_start3A_43 : memref<512xi32, #tpu.memory_space<hbm>>) target(%dma_start3A_42 : memref<512xi32, #tpu.memory_space<vmem>>) target_semaphore(%arg13 : memref<!tpu.dma_semaphore, #tpu.memory_space<semaphore_mem>>)
    %add3A_44 = arith.constant 32768 : i32
    %add3A_45 = arith.addi %add3A_44, %mul3A_2 : i32
    %dma_start3A_46 = arith.constant 1024 : i32
    %dma_start3A_47 = tpu.memref_slice %arg8[%dma_start3A_46] : memref<13312xf32, #tpu.memory_space<vmem>> -> memref<512xf32, #tpu.memory_space<vmem>>
    %dma_start3A_48 = tpu.memref_slice %arg3[%add3A_45] : memref<425984xf32, #tpu.memory_space<hbm>> -> memref<512xf32, #tpu.memory_space<hbm>>
    %dma_start3A_49 = arith.constant 1024 : i32
    %dma_start3A_50 = tpu.memref_slice %arg8[%dma_start3A_49] : memref<13312xf32, #tpu.memory_space<vmem>> -> memref<512xf32, #tpu.memory_space<vmem>>
    %dma_start3A_51 = tpu.memref_slice %arg3[%add3A_45] : memref<425984xf32, #tpu.memory_space<hbm>> -> memref<512xf32, #tpu.memory_space<hbm>>
    tpu.enqueue_dma source(%dma_start3A_51 : memref<512xf32, #tpu.memory_space<hbm>>) target(%dma_start3A_50 : memref<512xf32, #tpu.memory_space<vmem>>) target_semaphore(%arg14 : memref<!tpu.dma_semaphore, #tpu.memory_space<semaphore_mem>>)
    %add3A_52 = arith.constant 49152 : i32
    %add3A_53 = arith.addi %add3A_52, %mul3A_2 : i32
    %dma_start3A_54 = arith.constant 1536 : i32
    %dma_start3A_55 = tpu.memref_slice %arg7[%dma_start3A_54] : memref<13312xi32, #tpu.memory_space<vmem>> -> memref<512xi32, #tpu.memory_space<vmem>>
    %dma_start3A_56 = tpu.memref_slice %arg2[%add3A_53] : memref<425984xi32, #tpu.memory_space<hbm>> -> memref<512xi32, #tpu.memory_space<hbm>>
    %dma_start3A_57 = arith.constant 1536 : i32
    %dma_start3A_58 = tpu.memref_slice %arg7[%dma_start3A_57] : memref<13312xi32, #tpu.memory_space<vmem>> -> memref<512xi32, #tpu.memory_space<vmem>>
    %dma_start3A_59 = tpu.memref_slice %arg2[%add3A_53] : memref<425984xi32, #tpu.memory_space<hbm>> -> memref<512xi32, #tpu.memory_space<hbm>>
    tpu.enqueue_dma source(%dma_start3A_59 : memref<512xi32, #tpu.memory_space<hbm>>) target(%dma_start3A_58 : memref<512xi32, #tpu.memory_space<vmem>>) target_semaphore(%arg13 : memref<!tpu.dma_semaphore, #tpu.memory_space<semaphore_mem>>)
    %add3A_60 = arith.constant 49152 : i32
    %add3A_61 = arith.addi %add3A_60, %mul3A_2 : i32
    %dma_start3A_62 = arith.constant 1536 : i32
    %dma_start3A_63 = tpu.memref_slice %arg8[%dma_start3A_62] : memref<13312xf32, #tpu.memory_space<vmem>> -> memref<512xf32, #tpu.memory_space<vmem>>
    %dma_start3A_64 = tpu.memref_slice %arg3[%add3A_61] : memref<425984xf32, #tpu.memory_space<hbm>> -> memref<512xf32, #tpu.memory_space<hbm>>
    %dma_start3A_65 = arith.constant 1536 : i32
    %dma_start3A_66 = tpu.memref_slice %arg8[%dma_start3A_65] : memref<13312xf32, #tpu.memory_space<vmem>> -> memref<512xf32, #tpu.memory_space<vmem>>
    %dma_start3A_67 = tpu.memref_slice %arg3[%add3A_61] : memref<425984xf32, #tpu.memory_space<hbm>> -> memref<512xf32, #tpu.memory_space<hbm>>
    tpu.enqueue_dma source(%dma_start3A_67 : memref<512xf32, #tpu.memory_space<hbm>>) target(%dma_start3A_66 : memref<512xf32, #tpu.memory_space<vmem>>) target_semaphore(%arg14 : memref<!tpu.dma_semaphore, #tpu.memory_space<semaphore_mem>>)
    %add3A_68 = arith.constant 65536 : i32
    %add3A_69 = arith.addi %add3A_68, %mul3A_2 : i32
    %dma_start3A_70 = arith.constant 2048 : i32
    %dma_start3A_71 = tpu.memref_slice %arg7[%dma_start3A_70] : memref<13312xi32, #tpu.memory_space<vmem>> -> memref<512xi32, #tpu.memory_space<vmem>>
    %dma_start3A_72 = tpu.memref_slice %arg2[%add3A_69] : memref<425984xi32, #tpu.memory_space<hbm>> -> memref<512xi32, #tpu.memory_space<hbm>>
    %dma_start3A_73 = arith.constant 2048 : i32
    %dma_start3A_74 = tpu.memref_slice %arg7[%dma_start3A_73] : memref<13312xi32, #tpu.memory_space<vmem>> -> memref<512xi32, #tpu.memory_space<vmem>>
    %dma_start3A_75 = tpu.memref_slice %arg2[%add3A_69] : memref<425984xi32, #tpu.memory_space<hbm>> -> memref<512xi32, #tpu.memory_space<hbm>>
    tpu.enqueue_dma source(%dma_start3A_75 : memref<512xi32, #tpu.memory_space<hbm>>) target(%dma_start3A_74 : memref<512xi32, #tpu.memory_space<vmem>>) target_semaphore(%arg13 : memref<!tpu.dma_semaphore, #tpu.memory_space<semaphore_mem>>)
    %add3A_76 = arith.constant 65536 : i32
    %add3A_77 = arith.addi %add3A_76, %mul3A_2 : i32
    %dma_start3A_78 = arith.constant 2048 : i32
    %dma_start3A_79 = tpu.memref_slice %arg8[%dma_start3A_78] : memref<13312xf32, #tpu.memory_space<vmem>> -> memref<512xf32, #tpu.memory_space<vmem>>
    %dma_start3A_80 = tpu.memref_slice %arg3[%add3A_77] : memref<425984xf32, #tpu.memory_space<hbm>> -> memref<512xf32, #tpu.memory_space<hbm>>
    %dma_start3A_81 = arith.constant 2048 : i32
    %dma_start3A_82 = tpu.memref_slice %arg8[%dma_start3A_81] : memref<13312xf32, #tpu.memory_space<vmem>> -> memref<512xf32, #tpu.memory_space<vmem>>
    %dma_start3A_83 = tpu.memref_slice %arg3[%add3A_77] : memref<425984xf32, #tpu.memory_space<hbm>> -> memref<512xf32, #tpu.memory_space<hbm>>
    tpu.enqueue_dma source(%dma_start3A_83 : memref<512xf32, #tpu.memory_space<hbm>>) target(%dma_start3A_82 : memref<512xf32, #tpu.memory_space<vmem>>) target_semaphore(%arg14 : memref<!tpu.dma_semaphore, #tpu.memory_space<semaphore_mem>>)
    %add3A_84 = arith.constant 81920 : i32
    %add3A_85 = arith.addi %add3A_84, %mul3A_2 : i32
    %dma_start3A_86 = arith.constant 2560 : i32
    %dma_start3A_87 = tpu.memref_slice %arg7[%dma_start3A_86] : memref<13312xi32, #tpu.memory_space<vmem>> -> memref<512xi32, #tpu.memory_space<vmem>>
    %dma_start3A_88 = tpu.memref_slice %arg2[%add3A_85] : memref<425984xi32, #tpu.memory_space<hbm>> -> memref<512xi32, #tpu.memory_space<hbm>>
    %dma_start3A_89 = arith.constant 2560 : i32
    %dma_start3A_90 = tpu.memref_slice %arg7[%dma_start3A_89] : memref<13312xi32, #tpu.memory_space<vmem>> -> memref<512xi32, #tpu.memory_space<vmem>>
    %dma_start3A_91 = tpu.memref_slice %arg2[%add3A_85] : memref<425984xi32, #tpu.memory_space<hbm>> -> memref<512xi32, #tpu.memory_space<hbm>>
    tpu.enqueue_dma source(%dma_start3A_91 : memref<512xi32, #tpu.memory_space<hbm>>) target(%dma_start3A_90 : memref<512xi32, #tpu.memory_space<vmem>>) target_semaphore(%arg13 : memref<!tpu.dma_semaphore, #tpu.memory_space<semaphore_mem>>)
    %add3A_92 = arith.constant 81920 : i32
    %add3A_93 = arith.addi %add3A_92, %mul3A_2 : i32
    %dma_start3A_94 = arith.constant 2560 : i32
    %dma_start3A_95 = tpu.memref_slice %arg8[%dma_start3A_94] : memref<13312xf32, #tpu.memory_space<vmem>> -> memref<512xf32, #tpu.memory_space<vmem>>
    %dma_start3A_96 = tpu.memref_slice %arg3[%add3A_93] : memref<425984xf32, #tpu.memory_space<hbm>> -> memref<512xf32, #tpu.memory_space<hbm>>
    %dma_start3A_97 = arith.constant 2560 : i32
    %dma_start3A_98 = tpu.memref_slice %arg8[%dma_start3A_97] : memref<13312xf32, #tpu.memory_space<vmem>> -> memref<512xf32, #tpu.memory_space<vmem>>
    %dma_start3A_99 = tpu.memref_slice %arg3[%add3A_93] : memref<425984xf32, #tpu.memory_space<hbm>> -> memref<512xf32, #tpu.memory_space<hbm>>
    tpu.enqueue_dma source(%dma_start3A_99 : memref<512xf32, #tpu.memory_space<hbm>>) target(%dma_start3A_98 : memref<512xf32, #tpu.memory_space<vmem>>) target_semaphore(%arg14 : memref<!tpu.dma_semaphore, #tpu.memory_space<semaphore_mem>>)
    %add3A_100 = arith.constant 98304 : i32
    %add3A_101 = arith.addi %add3A_100, %mul3A_2 : i32
    %dma_start3A_102 = arith.constant 3072 : i32
    %dma_start3A_103 = tpu.memref_slice %arg7[%dma_start3A_102] : memref<13312xi32, #tpu.memory_space<vmem>> -> memref<512xi32, #tpu.memory_space<vmem>>
    %dma_start3A_104 = tpu.memref_slice %arg2[%add3A_101] : memref<425984xi32, #tpu.memory_space<hbm>> -> memref<512xi32, #tpu.memory_space<hbm>>
    %dma_start3A_105 = arith.constant 3072 : i32
    %dma_start3A_106 = tpu.memref_slice %arg7[%dma_start3A_105] : memref<13312xi32, #tpu.memory_space<vmem>> -> memref<512xi32, #tpu.memory_space<vmem>>
    %dma_start3A_107 = tpu.memref_slice %arg2[%add3A_101] : memref<425984xi32, #tpu.memory_space<hbm>> -> memref<512xi32, #tpu.memory_space<hbm>>
    tpu.enqueue_dma source(%dma_start3A_107 : memref<512xi32, #tpu.memory_space<hbm>>) target(%dma_start3A_106 : memref<512xi32, #tpu.memory_space<vmem>>) target_semaphore(%arg13 : memref<!tpu.dma_semaphore, #tpu.memory_space<semaphore_mem>>)
    %add3A_108 = arith.constant 98304 : i32
    %add3A_109 = arith.addi %add3A_108, %mul3A_2 : i32
    %dma_start3A_110 = arith.constant 3072 : i32
    %dma_start3A_111 = tpu.memref_slice %arg8[%dma_start3A_110] : memref<13312xf32, #tpu.memory_space<vmem>> -> memref<512xf32, #tpu.memory_space<vmem>>
    %dma_start3A_112 = tpu.memref_slice %arg3[%add3A_109] : memref<425984xf32, #tpu.memory_space<hbm>> -> memref<512xf32, #tpu.memory_space<hbm>>
    %dma_start3A_113 = arith.constant 3072 : i32
    %dma_start3A_114 = tpu.memref_slice %arg8[%dma_start3A_113] : memref<13312xf32, #tpu.memory_space<vmem>> -> memref<512xf32, #tpu.memory_space<vmem>>
    %dma_start3A_115 = tpu.memref_slice %arg3[%add3A_109] : memref<425984xf32, #tpu.memory_space<hbm>> -> memref<512xf32, #tpu.memory_space<hbm>>
    tpu.enqueue_dma source(%dma_start3A_115 : memref<512xf32, #tpu.memory_space<hbm>>) target(%dma_start3A_114 : memref<512xf32, #tpu.memory_space<vmem>>) target_semaphore(%arg14 : memref<!tpu.dma_semaphore, #tpu.memory_space<semaphore_mem>>)
    %add3A_116 = arith.constant 114688 : i32
    %add3A_117 = arith.addi %add3A_116, %mul3A_2 : i32
    %dma_start3A_118 = arith.constant 3584 : i32
    %dma_start3A_119 = tpu.memref_slice %arg7[%dma_start3A_118] : memref<13312xi32, #tpu.memory_space<vmem>> -> memref<512xi32, #tpu.memory_space<vmem>>
    %dma_start3A_120 = tpu.memref_slice %arg2[%add3A_117] : memref<425984xi32, #tpu.memory_space<hbm>> -> memref<512xi32, #tpu.memory_space<hbm>>
    %dma_start3A_121 = arith.constant 3584 : i32
    %dma_start3A_122 = tpu.memref_slice %arg7[%dma_start3A_121] : memref<13312xi32, #tpu.memory_space<vmem>> -> memref<512xi32, #tpu.memory_space<vmem>>
    %dma_start3A_123 = tpu.memref_slice %arg2[%add3A_117] : memref<425984xi32, #tpu.memory_space<hbm>> -> memref<512xi32, #tpu.memory_space<hbm>>
    tpu.enqueue_dma source(%dma_start3A_123 : memref<512xi32, #tpu.memory_space<hbm>>) target(%dma_start3A_122 : memref<512xi32, #tpu.memory_space<vmem>>) target_semaphore(%arg13 : memref<!tpu.dma_semaphore, #tpu.memory_space<semaphore_mem>>)
    %add3A_124 = arith.constant 114688 : i32
    %add3A_125 = arith.addi %add3A_124, %mul3A_2 : i32
    %dma_start3A_126 = arith.constant 3584 : i32
    %dma_start3A_127 = tpu.memref_slice %arg8[%dma_start3A_126] : memref<13312xf32, #tpu.memory_space<vmem>> -> memref<512xf32, #tpu.memory_space<vmem>>
    %dma_start3A_128 = tpu.memref_slice %arg3[%add3A_125] : memref<425984xf32, #tpu.memory_space<hbm>> -> memref<512xf32, #tpu.memory_space<hbm>>
    %dma_start3A_129 = arith.constant 3584 : i32
    %dma_start3A_130 = tpu.memref_slice %arg8[%dma_start3A_129] : memref<13312xf32, #tpu.memory_space<vmem>> -> memref<512xf32, #tpu.memory_space<vmem>>
    %dma_start3A_131 = tpu.memref_slice %arg3[%add3A_125] : memref<425984xf32, #tpu.memory_space<hbm>> -> memref<512xf32, #tpu.memory_space<hbm>>
    tpu.enqueue_dma source(%dma_start3A_131 : memref<512xf32, #tpu.memory_space<hbm>>) target(%dma_start3A_130 : memref<512xf32, #tpu.memory_space<vmem>>) target_semaphore(%arg14 : memref<!tpu.dma_semaphore, #tpu.memory_space<semaphore_mem>>)
    %add3A_132 = arith.constant 131072 : i32
    %add3A_133 = arith.addi %add3A_132, %mul3A_2 : i32
    %dma_start3A_134 = arith.constant 4096 : i32
    %dma_start3A_135 = tpu.memref_slice %arg7[%dma_start3A_134] : memref<13312xi32, #tpu.memory_space<vmem>> -> memref<512xi32, #tpu.memory_space<vmem>>
    %dma_start3A_136 = tpu.memref_slice %arg2[%add3A_133] : memref<425984xi32, #tpu.memory_space<hbm>> -> memref<512xi32, #tpu.memory_space<hbm>>
    %dma_start3A_137 = arith.constant 4096 : i32
    %dma_start3A_138 = tpu.memref_slice %arg7[%dma_start3A_137] : memref<13312xi32, #tpu.memory_space<vmem>> -> memref<512xi32, #tpu.memory_space<vmem>>
    %dma_start3A_139 = tpu.memref_slice %arg2[%add3A_133] : memref<425984xi32, #tpu.memory_space<hbm>> -> memref<512xi32, #tpu.memory_space<hbm>>
    tpu.enqueue_dma source(%dma_start3A_139 : memref<512xi32, #tpu.memory_space<hbm>>) target(%dma_start3A_138 : memref<512xi32, #tpu.memory_space<vmem>>) target_semaphore(%arg13 : memref<!tpu.dma_semaphore, #tpu.memory_space<semaphore_mem>>)
    %add3A_140 = arith.constant 131072 : i32
    %add3A_141 = arith.addi %add3A_140, %mul3A_2 : i32
    %dma_start3A_142 = arith.constant 4096 : i32
    %dma_start3A_143 = tpu.memref_slice %arg8[%dma_start3A_142] : memref<13312xf32, #tpu.memory_space<vmem>> -> memref<512xf32, #tpu.memory_space<vmem>>
    %dma_start3A_144 = tpu.memref_slice %arg3[%add3A_141] : memref<425984xf32, #tpu.memory_space<hbm>> -> memref<512xf32, #tpu.memory_space<hbm>>
    %dma_start3A_145 = arith.constant 4096 : i32
    %dma_start3A_146 = tpu.memref_slice %arg8[%dma_start3A_145] : memref<13312xf32, #tpu.memory_space<vmem>> -> memref<512xf32, #tpu.memory_space<vmem>>
    %dma_start3A_147 = tpu.memref_slice %arg3[%add3A_141] : memref<425984xf32, #tpu.memory_space<hbm>> -> memref<512xf32, #tpu.memory_space<hbm>>
    tpu.enqueue_dma source(%dma_start3A_147 : memref<512xf32, #tpu.memory_space<hbm>>) target(%dma_start3A_146 : memref<512xf32, #tpu.memory_space<vmem>>) target_semaphore(%arg14 : memref<!tpu.dma_semaphore, #tpu.memory_space<semaphore_mem>>)
    %add3A_148 = arith.constant 147456 : i32
    %add3A_149 = arith.addi %add3A_148, %mul3A_2 : i32
    %dma_start3A_150 = arith.constant 4608 : i32
    %dma_start3A_151 = tpu.memref_slice %arg7[%dma_start3A_150] : memref<13312xi32, #tpu.memory_space<vmem>> -> memref<512xi32, #tpu.memory_space<vmem>>
    %dma_start3A_152 = tpu.memref_slice %arg2[%add3A_149] : memref<425984xi32, #tpu.memory_space<hbm>> -> memref<512xi32, #tpu.memory_space<hbm>>
    %dma_start3A_153 = arith.constant 4608 : i32
    %dma_start3A_154 = tpu.memref_slice %arg7[%dma_start3A_153] : memref<13312xi32, #tpu.memory_space<vmem>> -> memref<512xi32, #tpu.memory_space<vmem>>
    %dma_start3A_155 = tpu.memref_slice %arg2[%add3A_149] : memref<425984xi32, #tpu.memory_space<hbm>> -> memref<512xi32, #tpu.memory_space<hbm>>
    tpu.enqueue_dma source(%dma_start3A_155 : memref<512xi32, #tpu.memory_space<hbm>>) target(%dma_start3A_154 : memref<512xi32, #tpu.memory_space<vmem>>) target_semaphore(%arg13 : memref<!tpu.dma_semaphore, #tpu.memory_space<semaphore_mem>>)
    %add3A_156 = arith.constant 147456 : i32
    %add3A_157 = arith.addi %add3A_156, %mul3A_2 : i32
    %dma_start3A_158 = arith.constant 4608 : i32
    %dma_start3A_159 = tpu.memref_slice %arg8[%dma_start3A_158] : memref<13312xf32, #tpu.memory_space<vmem>> -> memref<512xf32, #tpu.memory_space<vmem>>
    %dma_start3A_160 = tpu.memref_slice %arg3[%add3A_157] : memref<425984xf32, #tpu.memory_space<hbm>> -> memref<512xf32, #tpu.memory_space<hbm>>
    %dma_start3A_161 = arith.constant 4608 : i32
    %dma_start3A_162 = tpu.memref_slice %arg8[%dma_start3A_161] : memref<13312xf32, #tpu.memory_space<vmem>> -> memref<512xf32, #tpu.memory_space<vmem>>
    %dma_start3A_163 = tpu.memref_slice %arg3[%add3A_157] : memref<425984xf32, #tpu.memory_space<hbm>> -> memref<512xf32, #tpu.memory_space<hbm>>
    tpu.enqueue_dma source(%dma_start3A_163 : memref<512xf32, #tpu.memory_space<hbm>>) target(%dma_start3A_162 : memref<512xf32, #tpu.memory_space<vmem>>) target_semaphore(%arg14 : memref<!tpu.dma_semaphore, #tpu.memory_space<semaphore_mem>>)
    %add3A_164 = arith.constant 163840 : i32
    %add3A_165 = arith.addi %add3A_164, %mul3A_2 : i32
    %dma_start3A_166 = arith.constant 5120 : i32
    %dma_start3A_167 = tpu.memref_slice %arg7[%dma_start3A_166] : memref<13312xi32, #tpu.memory_space<vmem>> -> memref<512xi32, #tpu.memory_space<vmem>>
    %dma_start3A_168 = tpu.memref_slice %arg2[%add3A_165] : memref<425984xi32, #tpu.memory_space<hbm>> -> memref<512xi32, #tpu.memory_space<hbm>>
    %dma_start3A_169 = arith.constant 5120 : i32
    %dma_start3A_170 = tpu.memref_slice %arg7[%dma_start3A_169] : memref<13312xi32, #tpu.memory_space<vmem>> -> memref<512xi32, #tpu.memory_space<vmem>>
    %dma_start3A_171 = tpu.memref_slice %arg2[%add3A_165] : memref<425984xi32, #tpu.memory_space<hbm>> -> memref<512xi32, #tpu.memory_space<hbm>>
    tpu.enqueue_dma source(%dma_start3A_171 : memref<512xi32, #tpu.memory_space<hbm>>) target(%dma_start3A_170 : memref<512xi32, #tpu.memory_space<vmem>>) target_semaphore(%arg13 : memref<!tpu.dma_semaphore, #tpu.memory_space<semaphore_mem>>)
    %add3A_172 = arith.constant 163840 : i32
    %add3A_173 = arith.addi %add3A_172, %mul3A_2 : i32
    %dma_start3A_174 = arith.constant 5120 : i32
    %dma_start3A_175 = tpu.memref_slice %arg8[%dma_start3A_174] : memref<13312xf32, #tpu.memory_space<vmem>> -> memref<512xf32, #tpu.memory_space<vmem>>
    %dma_start3A_176 = tpu.memref_slice %arg3[%add3A_173] : memref<425984xf32, #tpu.memory_space<hbm>> -> memref<512xf32, #tpu.memory_space<hbm>>
    %dma_start3A_177 = arith.constant 5120 : i32
    %dma_start3A_178 = tpu.memref_slice %arg8[%dma_start3A_177] : memref<13312xf32, #tpu.memory_space<vmem>> -> memref<512xf32, #tpu.memory_space<vmem>>
    %dma_start3A_179 = tpu.memref_slice %arg3[%add3A_173] : memref<425984xf32, #tpu.memory_space<hbm>> -> memref<512xf32, #tpu.memory_space<hbm>>
    tpu.enqueue_dma source(%dma_start3A_179 : memref<512xf32, #tpu.memory_space<hbm>>) target(%dma_start3A_178 : memref<512xf32, #tpu.memory_space<vmem>>) target_semaphore(%arg14 : memref<!tpu.dma_semaphore, #tpu.memory_space<semaphore_mem>>)
    %add3A_180 = arith.constant 180224 : i32
    %add3A_181 = arith.addi %add3A_180, %mul3A_2 : i32
    %dma_start3A_182 = arith.constant 5632 : i32
    %dma_start3A_183 = tpu.memref_slice %arg7[%dma_start3A_182] : memref<13312xi32, #tpu.memory_space<vmem>> -> memref<512xi32, #tpu.memory_space<vmem>>
    %dma_start3A_184 = tpu.memref_slice %arg2[%add3A_181] : memref<425984xi32, #tpu.memory_space<hbm>> -> memref<512xi32, #tpu.memory_space<hbm>>
    %dma_start3A_185 = arith.constant 5632 : i32
    %dma_start3A_186 = tpu.memref_slice %arg7[%dma_start3A_185] : memref<13312xi32, #tpu.memory_space<vmem>> -> memref<512xi32, #tpu.memory_space<vmem>>
    %dma_start3A_187 = tpu.memref_slice %arg2[%add3A_181] : memref<425984xi32, #tpu.memory_space<hbm>> -> memref<512xi32, #tpu.memory_space<hbm>>
    tpu.enqueue_dma source(%dma_start3A_187 : memref<512xi32, #tpu.memory_space<hbm>>) target(%dma_start3A_186 : memref<512xi32, #tpu.memory_space<vmem>>) target_semaphore(%arg13 : memref<!tpu.dma_semaphore, #tpu.memory_space<semaphore_mem>>)
    %add3A_188 = arith.constant 180224 : i32
    %add3A_189 = arith.addi %add3A_188, %mul3A_2 : i32
    %dma_start3A_190 = arith.constant 5632 : i32
    %dma_start3A_191 = tpu.memref_slice %arg8[%dma_start3A_190] : memref<13312xf32, #tpu.memory_space<vmem>> -> memref<512xf32, #tpu.memory_space<vmem>>
    %dma_start3A_192 = tpu.memref_slice %arg3[%add3A_189] : memref<425984xf32, #tpu.memory_space<hbm>> -> memref<512xf32, #tpu.memory_space<hbm>>
    %dma_start3A_193 = arith.constant 5632 : i32
    %dma_start3A_194 = tpu.memref_slice %arg8[%dma_start3A_193] : memref<13312xf32, #tpu.memory_space<vmem>> -> memref<512xf32, #tpu.memory_space<vmem>>
    %dma_start3A_195 = tpu.memref_slice %arg3[%add3A_189] : memref<425984xf32, #tpu.memory_space<hbm>> -> memref<512xf32, #tpu.memory_space<hbm>>
    tpu.enqueue_dma source(%dma_start3A_195 : memref<512xf32, #tpu.memory_space<hbm>>) target(%dma_start3A_194 : memref<512xf32, #tpu.memory_space<vmem>>) target_semaphore(%arg14 : memref<!tpu.dma_semaphore, #tpu.memory_space<semaphore_mem>>)
    %add3A_196 = arith.constant 196608 : i32
    %add3A_197 = arith.addi %add3A_196, %mul3A_2 : i32
    %dma_start3A_198 = arith.constant 6144 : i32
    %dma_start3A_199 = tpu.memref_slice %arg7[%dma_start3A_198] : memref<13312xi32, #tpu.memory_space<vmem>> -> memref<512xi32, #tpu.memory_space<vmem>>
    %dma_start3A_200 = tpu.memref_slice %arg2[%add3A_197] : memref<425984xi32, #tpu.memory_space<hbm>> -> memref<512xi32, #tpu.memory_space<hbm>>
    %dma_start3A_201 = arith.constant 6144 : i32
    %dma_start3A_202 = tpu.memref_slice %arg7[%dma_start3A_201] : memref<13312xi32, #tpu.memory_space<vmem>> -> memref<512xi32, #tpu.memory_space<vmem>>
    %dma_start3A_203 = tpu.memref_slice %arg2[%add3A_197] : memref<425984xi32, #tpu.memory_space<hbm>> -> memref<512xi32, #tpu.memory_space<hbm>>
    tpu.enqueue_dma source(%dma_start3A_203 : memref<512xi32, #tpu.memory_space<hbm>>) target(%dma_start3A_202 : memref<512xi32, #tpu.memory_space<vmem>>) target_semaphore(%arg13 : memref<!tpu.dma_semaphore, #tpu.memory_space<semaphore_mem>>)
    %add3A_204 = arith.constant 196608 : i32
    %add3A_205 = arith.addi %add3A_204, %mul3A_2 : i32
    %dma_start3A_206 = arith.constant 6144 : i32
    %dma_start3A_207 = tpu.memref_slice %arg8[%dma_start3A_206] : memref<13312xf32, #tpu.memory_space<vmem>> -> memref<512xf32, #tpu.memory_space<vmem>>
    %dma_start3A_208 = tpu.memref_slice %arg3[%add3A_205] : memref<425984xf32, #tpu.memory_space<hbm>> -> memref<512xf32, #tpu.memory_space<hbm>>
    %dma_start3A_209 = arith.constant 6144 : i32
    %dma_start3A_210 = tpu.memref_slice %arg8[%dma_start3A_209] : memref<13312xf32, #tpu.memory_space<vmem>> -> memref<512xf32, #tpu.memory_space<vmem>>
    %dma_start3A_211 = tpu.memref_slice %arg3[%add3A_205] : memref<425984xf32, #tpu.memory_space<hbm>> -> memref<512xf32, #tpu.memory_space<hbm>>
    tpu.enqueue_dma source(%dma_start3A_211 : memref<512xf32, #tpu.memory_space<hbm>>) target(%dma_start3A_210 : memref<512xf32, #tpu.memory_space<vmem>>) target_semaphore(%arg14 : memref<!tpu.dma_semaphore, #tpu.memory_space<semaphore_mem>>)
    %add3A_212 = arith.constant 212992 : i32
    %add3A_213 = arith.addi %add3A_212, %mul3A_2 : i32
    %dma_start3A_214 = arith.constant 6656 : i32
    %dma_start3A_215 = tpu.memref_slice %arg7[%dma_start3A_214] : memref<13312xi32, #tpu.memory_space<vmem>> -> memref<512xi32, #tpu.memory_space<vmem>>
    %dma_start3A_216 = tpu.memref_slice %arg2[%add3A_213] : memref<425984xi32, #tpu.memory_space<hbm>> -> memref<512xi32, #tpu.memory_space<hbm>>
    %dma_start3A_217 = arith.constant 6656 : i32
    %dma_start3A_218 = tpu.memref_slice %arg7[%dma_start3A_217] : memref<13312xi32, #tpu.memory_space<vmem>> -> memref<512xi32, #tpu.memory_space<vmem>>
    %dma_start3A_219 = tpu.memref_slice %arg2[%add3A_213] : memref<425984xi32, #tpu.memory_space<hbm>> -> memref<512xi32, #tpu.memory_space<hbm>>
    tpu.enqueue_dma source(%dma_start3A_219 : memref<512xi32, #tpu.memory_space<hbm>>) target(%dma_start3A_218 : memref<512xi32, #tpu.memory_space<vmem>>) target_semaphore(%arg13 : memref<!tpu.dma_semaphore, #tpu.memory_space<semaphore_mem>>)
    %add3A_220 = arith.constant 212992 : i32
    %add3A_221 = arith.addi %add3A_220, %mul3A_2 : i32
    %dma_start3A_222 = arith.constant 6656 : i32
    %dma_start3A_223 = tpu.memref_slice %arg8[%dma_start3A_222] : memref<13312xf32, #tpu.memory_space<vmem>> -> memref<512xf32, #tpu.memory_space<vmem>>
    %dma_start3A_224 = tpu.memref_slice %arg3[%add3A_221] : memref<425984xf32, #tpu.memory_space<hbm>> -> memref<512xf32, #tpu.memory_space<hbm>>
    %dma_start3A_225 = arith.constant 6656 : i32
    %dma_start3A_226 = tpu.memref_slice %arg8[%dma_start3A_225] : memref<13312xf32, #tpu.memory_space<vmem>> -> memref<512xf32, #tpu.memory_space<vmem>>
    %dma_start3A_227 = tpu.memref_slice %arg3[%add3A_221] : memref<425984xf32, #tpu.memory_space<hbm>> -> memref<512xf32, #tpu.memory_space<hbm>>
    tpu.enqueue_dma source(%dma_start3A_227 : memref<512xf32, #tpu.memory_space<hbm>>) target(%dma_start3A_226 : memref<512xf32, #tpu.memory_space<vmem>>) target_semaphore(%arg14 : memref<!tpu.dma_semaphore, #tpu.memory_space<semaphore_mem>>)
    %add3A_228 = arith.constant 229376 : i32
    %add3A_229 = arith.addi %add3A_228, %mul3A_2 : i32
    %dma_start3A_230 = arith.constant 7168 : i32
    %dma_start3A_231 = tpu.memref_slice %arg7[%dma_start3A_230] : memref<13312xi32, #tpu.memory_space<vmem>> -> memref<512xi32, #tpu.memory_space<vmem>>
    %dma_start3A_232 = tpu.memref_slice %arg2[%add3A_229] : memref<425984xi32, #tpu.memory_space<hbm>> -> memref<512xi32, #tpu.memory_space<hbm>>
    %dma_start3A_233 = arith.constant 7168 : i32
    %dma_start3A_234 = tpu.memref_slice %arg7[%dma_start3A_233] : memref<13312xi32, #tpu.memory_space<vmem>> -> memref<512xi32, #tpu.memory_space<vmem>>
    %dma_start3A_235 = tpu.memref_slice %arg2[%add3A_229] : memref<425984xi32, #tpu.memory_space<hbm>> -> memref<512xi32, #tpu.memory_space<hbm>>
    tpu.enqueue_dma source(%dma_start3A_235 : memref<512xi32, #tpu.memory_space<hbm>>) target(%dma_start3A_234 : memref<512xi32, #tpu.memory_space<vmem>>) target_semaphore(%arg13 : memref<!tpu.dma_semaphore, #tpu.memory_space<semaphore_mem>>)
    %add3A_236 = arith.constant 229376 : i32
    %add3A_237 = arith.addi %add3A_236, %mul3A_2 : i32
    %dma_start3A_238 = arith.constant 7168 : i32
    %dma_start3A_239 = tpu.memref_slice %arg8[%dma_start3A_238] : memref<13312xf32, #tpu.memory_space<vmem>> -> memref<512xf32, #tpu.memory_space<vmem>>
    %dma_start3A_240 = tpu.memref_slice %arg3[%add3A_237] : memref<425984xf32, #tpu.memory_space<hbm>> -> memref<512xf32, #tpu.memory_space<hbm>>
    %dma_start3A_241 = arith.constant 7168 : i32
    %dma_start3A_242 = tpu.memref_slice %arg8[%dma_start3A_241] : memref<13312xf32, #tpu.memory_space<vmem>> -> memref<512xf32, #tpu.memory_space<vmem>>
    %dma_start3A_243 = tpu.memref_slice %arg3[%add3A_237] : memref<425984xf32, #tpu.memory_space<hbm>> -> memref<512xf32, #tpu.memory_space<hbm>>
    tpu.enqueue_dma source(%dma_start3A_243 : memref<512xf32, #tpu.memory_space<hbm>>) target(%dma_start3A_242 : memref<512xf32, #tpu.memory_space<vmem>>) target_semaphore(%arg14 : memref<!tpu.dma_semaphore, #tpu.memory_space<semaphore_mem>>)
    %add3A_244 = arith.constant 245760 : i32
    %add3A_245 = arith.addi %add3A_244, %mul3A_2 : i32
    %dma_start3A_246 = arith.constant 7680 : i32
    %dma_start3A_247 = tpu.memref_slice %arg7[%dma_start3A_246] : memref<13312xi32, #tpu.memory_space<vmem>> -> memref<512xi32, #tpu.memory_space<vmem>>
    %dma_start3A_248 = tpu.memref_slice %arg2[%add3A_245] : memref<425984xi32, #tpu.memory_space<hbm>> -> memref<512xi32, #tpu.memory_space<hbm>>
    %dma_start3A_249 = arith.constant 7680 : i32
    %dma_start3A_250 = tpu.memref_slice %arg7[%dma_start3A_249] : memref<13312xi32, #tpu.memory_space<vmem>> -> memref<512xi32, #tpu.memory_space<vmem>>
    %dma_start3A_251 = tpu.memref_slice %arg2[%add3A_245] : memref<425984xi32, #tpu.memory_space<hbm>> -> memref<512xi32, #tpu.memory_space<hbm>>
    tpu.enqueue_dma source(%dma_start3A_251 : memref<512xi32, #tpu.memory_space<hbm>>) target(%dma_start3A_250 : memref<512xi32, #tpu.memory_space<vmem>>) target_semaphore(%arg13 : memref<!tpu.dma_semaphore, #tpu.memory_space<semaphore_mem>>)
    %add3A_252 = arith.constant 245760 : i32
    %add3A_253 = arith.addi %add3A_252, %mul3A_2 : i32
    %dma_start3A_254 = arith.constant 7680 : i32
    %dma_start3A_255 = tpu.memref_slice %arg8[%dma_start3A_254] : memref<13312xf32, #tpu.memory_space<vmem>> -> memref<512xf32, #tpu.memory_space<vmem>>
    %dma_start3A_256 = tpu.memref_slice %arg3[%add3A_253] : memref<425984xf32, #tpu.memory_space<hbm>> -> memref<512xf32, #tpu.memory_space<hbm>>
    %dma_start3A_257 = arith.constant 7680 : i32
    %dma_start3A_258 = tpu.memref_slice %arg8[%dma_start3A_257] : memref<13312xf32, #tpu.memory_space<vmem>> -> memref<512xf32, #tpu.memory_space<vmem>>
    %dma_start3A_259 = tpu.memref_slice %arg3[%add3A_253] : memref<425984xf32, #tpu.memory_space<hbm>> -> memref<512xf32, #tpu.memory_space<hbm>>
    tpu.enqueue_dma source(%dma_start3A_259 : memref<512xf32, #tpu.memory_space<hbm>>) target(%dma_start3A_258 : memref<512xf32, #tpu.memory_space<vmem>>) target_semaphore(%arg14 : memref<!tpu.dma_semaphore, #tpu.memory_space<semaphore_mem>>)
    %add3A_260 = arith.constant 262144 : i32
    %add3A_261 = arith.addi %add3A_260, %mul3A_2 : i32
    %dma_start3A_262 = arith.constant 8192 : i32
    %dma_start3A_263 = tpu.memref_slice %arg7[%dma_start3A_262] : memref<13312xi32, #tpu.memory_space<vmem>> -> memref<512xi32, #tpu.memory_space<vmem>>
    %dma_start3A_264 = tpu.memref_slice %arg2[%add3A_261] : memref<425984xi32, #tpu.memory_space<hbm>> -> memref<512xi32, #tpu.memory_space<hbm>>
    %dma_start3A_265 = arith.constant 8192 : i32
    %dma_start3A_266 = tpu.memref_slice %arg7[%dma_start3A_265] : memref<13312xi32, #tpu.memory_space<vmem>> -> memref<512xi32, #tpu.memory_space<vmem>>
    %dma_start3A_267 = tpu.memref_slice %arg2[%add3A_261] : memref<425984xi32, #tpu.memory_space<hbm>> -> memref<512xi32, #tpu.memory_space<hbm>>
    tpu.enqueue_dma source(%dma_start3A_267 : memref<512xi32, #tpu.memory_space<hbm>>) target(%dma_start3A_266 : memref<512xi32, #tpu.memory_space<vmem>>) target_semaphore(%arg13 : memref<!tpu.dma_semaphore, #tpu.memory_space<semaphore_mem>>)
    %add3A_268 = arith.constant 262144 : i32
    %add3A_269 = arith.addi %add3A_268, %mul3A_2 : i32
    %dma_start3A_270 = arith.constant 8192 : i32
    %dma_start3A_271 = tpu.memref_slice %arg8[%dma_start3A_270] : memref<13312xf32, #tpu.memory_space<vmem>> -> memref<512xf32, #tpu.memory_space<vmem>>
    %dma_start3A_272 = tpu.memref_slice %arg3[%add3A_269] : memref<425984xf32, #tpu.memory_space<hbm>> -> memref<512xf32, #tpu.memory_space<hbm>>
    %dma_start3A_273 = arith.constant 8192 : i32
    %dma_start3A_274 = tpu.memref_slice %arg8[%dma_start3A_273] : memref<13312xf32, #tpu.memory_space<vmem>> -> memref<512xf32, #tpu.memory_space<vmem>>
    %dma_start3A_275 = tpu.memref_slice %arg3[%add3A_269] : memref<425984xf32, #tpu.memory_space<hbm>> -> memref<512xf32, #tpu.memory_space<hbm>>
    tpu.enqueue_dma source(%dma_start3A_275 : memref<512xf32, #tpu.memory_space<hbm>>) target(%dma_start3A_274 : memref<512xf32, #tpu.memory_space<vmem>>) target_semaphore(%arg14 : memref<!tpu.dma_semaphore, #tpu.memory_space<semaphore_mem>>)
    %add3A_276 = arith.constant 278528 : i32
    %add3A_277 = arith.addi %add3A_276, %mul3A_2 : i32
    %dma_start3A_278 = arith.constant 8704 : i32
    %dma_start3A_279 = tpu.memref_slice %arg7[%dma_start3A_278] : memref<13312xi32, #tpu.memory_space<vmem>> -> memref<512xi32, #tpu.memory_space<vmem>>
    %dma_start3A_280 = tpu.memref_slice %arg2[%add3A_277] : memref<425984xi32, #tpu.memory_space<hbm>> -> memref<512xi32, #tpu.memory_space<hbm>>
    %dma_start3A_281 = arith.constant 8704 : i32
    %dma_start3A_282 = tpu.memref_slice %arg7[%dma_start3A_281] : memref<13312xi32, #tpu.memory_space<vmem>> -> memref<512xi32, #tpu.memory_space<vmem>>
    %dma_start3A_283 = tpu.memref_slice %arg2[%add3A_277] : memref<425984xi32, #tpu.memory_space<hbm>> -> memref<512xi32, #tpu.memory_space<hbm>>
    tpu.enqueue_dma source(%dma_start3A_283 : memref<512xi32, #tpu.memory_space<hbm>>) target(%dma_start3A_282 : memref<512xi32, #tpu.memory_space<vmem>>) target_semaphore(%arg13 : memref<!tpu.dma_semaphore, #tpu.memory_space<semaphore_mem>>)
    %add3A_284 = arith.constant 278528 : i32
    %add3A_285 = arith.addi %add3A_284, %mul3A_2 : i32
    %dma_start3A_286 = arith.constant 8704 : i32
    %dma_start3A_287 = tpu.memref_slice %arg8[%dma_start3A_286] : memref<13312xf32, #tpu.memory_space<vmem>> -> memref<512xf32, #tpu.memory_space<vmem>>
    %dma_start3A_288 = tpu.memref_slice %arg3[%add3A_285] : memref<425984xf32, #tpu.memory_space<hbm>> -> memref<512xf32, #tpu.memory_space<hbm>>
    %dma_start3A_289 = arith.constant 8704 : i32
    %dma_start3A_290 = tpu.memref_slice %arg8[%dma_start3A_289] : memref<13312xf32, #tpu.memory_space<vmem>> -> memref<512xf32, #tpu.memory_space<vmem>>
    %dma_start3A_291 = tpu.memref_slice %arg3[%add3A_285] : memref<425984xf32, #tpu.memory_space<hbm>> -> memref<512xf32, #tpu.memory_space<hbm>>
    tpu.enqueue_dma source(%dma_start3A_291 : memref<512xf32, #tpu.memory_space<hbm>>) target(%dma_start3A_290 : memref<512xf32, #tpu.memory_space<vmem>>) target_semaphore(%arg14 : memref<!tpu.dma_semaphore, #tpu.memory_space<semaphore_mem>>)
    %add3A_292 = arith.constant 294912 : i32
    %add3A_293 = arith.addi %add3A_292, %mul3A_2 : i32
    %dma_start3A_294 = arith.constant 9216 : i32
    %dma_start3A_295 = tpu.memref_slice %arg7[%dma_start3A_294] : memref<13312xi32, #tpu.memory_space<vmem>> -> memref<512xi32, #tpu.memory_space<vmem>>
    %dma_start3A_296 = tpu.memref_slice %arg2[%add3A_293] : memref<425984xi32, #tpu.memory_space<hbm>> -> memref<512xi32, #tpu.memory_space<hbm>>
    %dma_start3A_297 = arith.constant 9216 : i32
    %dma_start3A_298 = tpu.memref_slice %arg7[%dma_start3A_297] : memref<13312xi32, #tpu.memory_space<vmem>> -> memref<512xi32, #tpu.memory_space<vmem>>
    %dma_start3A_299 = tpu.memref_slice %arg2[%add3A_293] : memref<425984xi32, #tpu.memory_space<hbm>> -> memref<512xi32, #tpu.memory_space<hbm>>
    tpu.enqueue_dma source(%dma_start3A_299 : memref<512xi32, #tpu.memory_space<hbm>>) target(%dma_start3A_298 : memref<512xi32, #tpu.memory_space<vmem>>) target_semaphore(%arg13 : memref<!tpu.dma_semaphore, #tpu.memory_space<semaphore_mem>>)
    %add3A_300 = arith.constant 294912 : i32
    %add3A_301 = arith.addi %add3A_300, %mul3A_2 : i32
    %dma_start3A_302 = arith.constant 9216 : i32
    %dma_start3A_303 = tpu.memref_slice %arg8[%dma_start3A_302] : memref<13312xf32, #tpu.memory_space<vmem>> -> memref<512xf32, #tpu.memory_space<vmem>>
    %dma_start3A_304 = tpu.memref_slice %arg3[%add3A_301] : memref<425984xf32, #tpu.memory_space<hbm>> -> memref<512xf32, #tpu.memory_space<hbm>>
    %dma_start3A_305 = arith.constant 9216 : i32
    %dma_start3A_306 = tpu.memref_slice %arg8[%dma_start3A_305] : memref<13312xf32, #tpu.memory_space<vmem>> -> memref<512xf32, #tpu.memory_space<vmem>>
    %dma_start3A_307 = tpu.memref_slice %arg3[%add3A_301] : memref<425984xf32, #tpu.memory_space<hbm>> -> memref<512xf32, #tpu.memory_space<hbm>>
    tpu.enqueue_dma source(%dma_start3A_307 : memref<512xf32, #tpu.memory_space<hbm>>) target(%dma_start3A_306 : memref<512xf32, #tpu.memory_space<vmem>>) target_semaphore(%arg14 : memref<!tpu.dma_semaphore, #tpu.memory_space<semaphore_mem>>)
    %add3A_308 = arith.constant 311296 : i32
    %add3A_309 = arith.addi %add3A_308, %mul3A_2 : i32
    %dma_start3A_310 = arith.constant 9728 : i32
    %dma_start3A_311 = tpu.memref_slice %arg7[%dma_start3A_310] : memref<13312xi32, #tpu.memory_space<vmem>> -> memref<512xi32, #tpu.memory_space<vmem>>
    %dma_start3A_312 = tpu.memref_slice %arg2[%add3A_309] : memref<425984xi32, #tpu.memory_space<hbm>> -> memref<512xi32, #tpu.memory_space<hbm>>
    %dma_start3A_313 = arith.constant 9728 : i32
    %dma_start3A_314 = tpu.memref_slice %arg7[%dma_start3A_313] : memref<13312xi32, #tpu.memory_space<vmem>> -> memref<512xi32, #tpu.memory_space<vmem>>
    %dma_start3A_315 = tpu.memref_slice %arg2[%add3A_309] : memref<425984xi32, #tpu.memory_space<hbm>> -> memref<512xi32, #tpu.memory_space<hbm>>
    tpu.enqueue_dma source(%dma_start3A_315 : memref<512xi32, #tpu.memory_space<hbm>>) target(%dma_start3A_314 : memref<512xi32, #tpu.memory_space<vmem>>) target_semaphore(%arg13 : memref<!tpu.dma_semaphore, #tpu.memory_space<semaphore_mem>>)
    %add3A_316 = arith.constant 311296 : i32
    %add3A_317 = arith.addi %add3A_316, %mul3A_2 : i32
    %dma_start3A_318 = arith.constant 9728 : i32
    %dma_start3A_319 = tpu.memref_slice %arg8[%dma_start3A_318] : memref<13312xf32, #tpu.memory_space<vmem>> -> memref<512xf32, #tpu.memory_space<vmem>>
    %dma_start3A_320 = tpu.memref_slice %arg3[%add3A_317] : memref<425984xf32, #tpu.memory_space<hbm>> -> memref<512xf32, #tpu.memory_space<hbm>>
    %dma_start3A_321 = arith.constant 9728 : i32
    %dma_start3A_322 = tpu.memref_slice %arg8[%dma_start3A_321] : memref<13312xf32, #tpu.memory_space<vmem>> -> memref<512xf32, #tpu.memory_space<vmem>>
    %dma_start3A_323 = tpu.memref_slice %arg3[%add3A_317] : memref<425984xf32, #tpu.memory_space<hbm>> -> memref<512xf32, #tpu.memory_space<hbm>>
    tpu.enqueue_dma source(%dma_start3A_323 : memref<512xf32, #tpu.memory_space<hbm>>) target(%dma_start3A_322 : memref<512xf32, #tpu.memory_space<vmem>>) target_semaphore(%arg14 : memref<!tpu.dma_semaphore, #tpu.memory_space<semaphore_mem>>)
    %add3A_324 = arith.constant 327680 : i32
    %add3A_325 = arith.addi %add3A_324, %mul3A_2 : i32
    %dma_start3A_326 = arith.constant 10240 : i32
    %dma_start3A_327 = tpu.memref_slice %arg7[%dma_start3A_326] : memref<13312xi32, #tpu.memory_space<vmem>> -> memref<512xi32, #tpu.memory_space<vmem>>
    %dma_start3A_328 = tpu.memref_slice %arg2[%add3A_325] : memref<425984xi32, #tpu.memory_space<hbm>> -> memref<512xi32, #tpu.memory_space<hbm>>
    %dma_start3A_329 = arith.constant 10240 : i32
    %dma_start3A_330 = tpu.memref_slice %arg7[%dma_start3A_329] : memref<13312xi32, #tpu.memory_space<vmem>> -> memref<512xi32, #tpu.memory_space<vmem>>
    %dma_start3A_331 = tpu.memref_slice %arg2[%add3A_325] : memref<425984xi32, #tpu.memory_space<hbm>> -> memref<512xi32, #tpu.memory_space<hbm>>
    tpu.enqueue_dma source(%dma_start3A_331 : memref<512xi32, #tpu.memory_space<hbm>>) target(%dma_start3A_330 : memref<512xi32, #tpu.memory_space<vmem>>) target_semaphore(%arg13 : memref<!tpu.dma_semaphore, #tpu.memory_space<semaphore_mem>>)
    %add3A_332 = arith.constant 327680 : i32
    %add3A_333 = arith.addi %add3A_332, %mul3A_2 : i32
    %dma_start3A_334 = arith.constant 10240 : i32
    %dma_start3A_335 = tpu.memref_slice %arg8[%dma_start3A_334] : memref<13312xf32, #tpu.memory_space<vmem>> -> memref<512xf32, #tpu.memory_space<vmem>>
    %dma_start3A_336 = tpu.memref_slice %arg3[%add3A_333] : memref<425984xf32, #tpu.memory_space<hbm>> -> memref<512xf32, #tpu.memory_space<hbm>>
    %dma_start3A_337 = arith.constant 10240 : i32
    %dma_start3A_338 = tpu.memref_slice %arg8[%dma_start3A_337] : memref<13312xf32, #tpu.memory_space<vmem>> -> memref<512xf32, #tpu.memory_space<vmem>>
    %dma_start3A_339 = tpu.memref_slice %arg3[%add3A_333] : memref<425984xf32, #tpu.memory_space<hbm>> -> memref<512xf32, #tpu.memory_space<hbm>>
    tpu.enqueue_dma source(%dma_start3A_339 : memref<512xf32, #tpu.memory_space<hbm>>) target(%dma_start3A_338 : memref<512xf32, #tpu.memory_space<vmem>>) target_semaphore(%arg14 : memref<!tpu.dma_semaphore, #tpu.memory_space<semaphore_mem>>)
    %add3A_340 = arith.constant 344064 : i32
    %add3A_341 = arith.addi %add3A_340, %mul3A_2 : i32
    %dma_start3A_342 = arith.constant 10752 : i32
    %dma_start3A_343 = tpu.memref_slice %arg7[%dma_start3A_342] : memref<13312xi32, #tpu.memory_space<vmem>> -> memref<512xi32, #tpu.memory_space<vmem>>
    %dma_start3A_344 = tpu.memref_slice %arg2[%add3A_341] : memref<425984xi32, #tpu.memory_space<hbm>> -> memref<512xi32, #tpu.memory_space<hbm>>
    %dma_start3A_345 = arith.constant 10752 : i32
    %dma_start3A_346 = tpu.memref_slice %arg7[%dma_start3A_345] : memref<13312xi32, #tpu.memory_space<vmem>> -> memref<512xi32, #tpu.memory_space<vmem>>
    %dma_start3A_347 = tpu.memref_slice %arg2[%add3A_341] : memref<425984xi32, #tpu.memory_space<hbm>> -> memref<512xi32, #tpu.memory_space<hbm>>
    tpu.enqueue_dma source(%dma_start3A_347 : memref<512xi32, #tpu.memory_space<hbm>>) target(%dma_start3A_346 : memref<512xi32, #tpu.memory_space<vmem>>) target_semaphore(%arg13 : memref<!tpu.dma_semaphore, #tpu.memory_space<semaphore_mem>>)
    %add3A_348 = arith.constant 344064 : i32
    %add3A_349 = arith.addi %add3A_348, %mul3A_2 : i32
    %dma_start3A_350 = arith.constant 10752 : i32
    %dma_start3A_351 = tpu.memref_slice %arg8[%dma_start3A_350] : memref<13312xf32, #tpu.memory_space<vmem>> -> memref<512xf32, #tpu.memory_space<vmem>>
    %dma_start3A_352 = tpu.memref_slice %arg3[%add3A_349] : memref<425984xf32, #tpu.memory_space<hbm>> -> memref<512xf32, #tpu.memory_space<hbm>>
    %dma_start3A_353 = arith.constant 10752 : i32
    %dma_start3A_354 = tpu.memref_slice %arg8[%dma_start3A_353] : memref<13312xf32, #tpu.memory_space<vmem>> -> memref<512xf32, #tpu.memory_space<vmem>>
    %dma_start3A_355 = tpu.memref_slice %arg3[%add3A_349] : memref<425984xf32, #tpu.memory_space<hbm>> -> memref<512xf32, #tpu.memory_space<hbm>>
    tpu.enqueue_dma source(%dma_start3A_355 : memref<512xf32, #tpu.memory_space<hbm>>) target(%dma_start3A_354 : memref<512xf32, #tpu.memory_space<vmem>>) target_semaphore(%arg14 : memref<!tpu.dma_semaphore, #tpu.memory_space<semaphore_mem>>)
    %add3A_356 = arith.constant 360448 : i32
    %add3A_357 = arith.addi %add3A_356, %mul3A_2 : i32
    %dma_start3A_358 = arith.constant 11264 : i32
    %dma_start3A_359 = tpu.memref_slice %arg7[%dma_start3A_358] : memref<13312xi32, #tpu.memory_space<vmem>> -> memref<512xi32, #tpu.memory_space<vmem>>
    %dma_start3A_360 = tpu.memref_slice %arg2[%add3A_357] : memref<425984xi32, #tpu.memory_space<hbm>> -> memref<512xi32, #tpu.memory_space<hbm>>
    %dma_start3A_361 = arith.constant 11264 : i32
    %dma_start3A_362 = tpu.memref_slice %arg7[%dma_start3A_361] : memref<13312xi32, #tpu.memory_space<vmem>> -> memref<512xi32, #tpu.memory_space<vmem>>
    %dma_start3A_363 = tpu.memref_slice %arg2[%add3A_357] : memref<425984xi32, #tpu.memory_space<hbm>> -> memref<512xi32, #tpu.memory_space<hbm>>
    tpu.enqueue_dma source(%dma_start3A_363 : memref<512xi32, #tpu.memory_space<hbm>>) target(%dma_start3A_362 : memref<512xi32, #tpu.memory_space<vmem>>) target_semaphore(%arg13 : memref<!tpu.dma_semaphore, #tpu.memory_space<semaphore_mem>>)
    %add3A_364 = arith.constant 360448 : i32
    %add3A_365 = arith.addi %add3A_364, %mul3A_2 : i32
    %dma_start3A_366 = arith.constant 11264 : i32
    %dma_start3A_367 = tpu.memref_slice %arg8[%dma_start3A_366] : memref<13312xf32, #tpu.memory_space<vmem>> -> memref<512xf32, #tpu.memory_space<vmem>>
    %dma_start3A_368 = tpu.memref_slice %arg3[%add3A_365] : memref<425984xf32, #tpu.memory_space<hbm>> -> memref<512xf32, #tpu.memory_space<hbm>>
    %dma_start3A_369 = arith.constant 11264 : i32
    %dma_start3A_370 = tpu.memref_slice %arg8[%dma_start3A_369] : memref<13312xf32, #tpu.memory_space<vmem>> -> memref<512xf32, #tpu.memory_space<vmem>>
    %dma_start3A_371 = tpu.memref_slice %arg3[%add3A_365] : memref<425984xf32, #tpu.memory_space<hbm>> -> memref<512xf32, #tpu.memory_space<hbm>>
    tpu.enqueue_dma source(%dma_start3A_371 : memref<512xf32, #tpu.memory_space<hbm>>) target(%dma_start3A_370 : memref<512xf32, #tpu.memory_space<vmem>>) target_semaphore(%arg14 : memref<!tpu.dma_semaphore, #tpu.memory_space<semaphore_mem>>)
    %add3A_372 = arith.constant 376832 : i32
    %add3A_373 = arith.addi %add3A_372, %mul3A_2 : i32
    %dma_start3A_374 = arith.constant 11776 : i32
    %dma_start3A_375 = tpu.memref_slice %arg7[%dma_start3A_374] : memref<13312xi32, #tpu.memory_space<vmem>> -> memref<512xi32, #tpu.memory_space<vmem>>
    %dma_start3A_376 = tpu.memref_slice %arg2[%add3A_373] : memref<425984xi32, #tpu.memory_space<hbm>> -> memref<512xi32, #tpu.memory_space<hbm>>
    %dma_start3A_377 = arith.constant 11776 : i32
    %dma_start3A_378 = tpu.memref_slice %arg7[%dma_start3A_377] : memref<13312xi32, #tpu.memory_space<vmem>> -> memref<512xi32, #tpu.memory_space<vmem>>
    %dma_start3A_379 = tpu.memref_slice %arg2[%add3A_373] : memref<425984xi32, #tpu.memory_space<hbm>> -> memref<512xi32, #tpu.memory_space<hbm>>
    tpu.enqueue_dma source(%dma_start3A_379 : memref<512xi32, #tpu.memory_space<hbm>>) target(%dma_start3A_378 : memref<512xi32, #tpu.memory_space<vmem>>) target_semaphore(%arg13 : memref<!tpu.dma_semaphore, #tpu.memory_space<semaphore_mem>>)
    %add3A_380 = arith.constant 376832 : i32
    %add3A_381 = arith.addi %add3A_380, %mul3A_2 : i32
    %dma_start3A_382 = arith.constant 11776 : i32
    %dma_start3A_383 = tpu.memref_slice %arg8[%dma_start3A_382] : memref<13312xf32, #tpu.memory_space<vmem>> -> memref<512xf32, #tpu.memory_space<vmem>>
    %dma_start3A_384 = tpu.memref_slice %arg3[%add3A_381] : memref<425984xf32, #tpu.memory_space<hbm>> -> memref<512xf32, #tpu.memory_space<hbm>>
    %dma_start3A_385 = arith.constant 11776 : i32
    %dma_start3A_386 = tpu.memref_slice %arg8[%dma_start3A_385] : memref<13312xf32, #tpu.memory_space<vmem>> -> memref<512xf32, #tpu.memory_space<vmem>>
    %dma_start3A_387 = tpu.memref_slice %arg3[%add3A_381] : memref<425984xf32, #tpu.memory_space<hbm>> -> memref<512xf32, #tpu.memory_space<hbm>>
    tpu.enqueue_dma source(%dma_start3A_387 : memref<512xf32, #tpu.memory_space<hbm>>) target(%dma_start3A_386 : memref<512xf32, #tpu.memory_space<vmem>>) target_semaphore(%arg14 : memref<!tpu.dma_semaphore, #tpu.memory_space<semaphore_mem>>)
    %add3A_388 = arith.constant 393216 : i32
    %add3A_389 = arith.addi %add3A_388, %mul3A_2 : i32
    %dma_start3A_390 = arith.constant 12288 : i32
    %dma_start3A_391 = tpu.memref_slice %arg7[%dma_start3A_390] : memref<13312xi32, #tpu.memory_space<vmem>> -> memref<512xi32, #tpu.memory_space<vmem>>
    %dma_start3A_392 = tpu.memref_slice %arg2[%add3A_389] : memref<425984xi32, #tpu.memory_space<hbm>> -> memref<512xi32, #tpu.memory_space<hbm>>
    %dma_start3A_393 = arith.constant 12288 : i32
    %dma_start3A_394 = tpu.memref_slice %arg7[%dma_start3A_393] : memref<13312xi32, #tpu.memory_space<vmem>> -> memref<512xi32, #tpu.memory_space<vmem>>
    %dma_start3A_395 = tpu.memref_slice %arg2[%add3A_389] : memref<425984xi32, #tpu.memory_space<hbm>> -> memref<512xi32, #tpu.memory_space<hbm>>
    tpu.enqueue_dma source(%dma_start3A_395 : memref<512xi32, #tpu.memory_space<hbm>>) target(%dma_start3A_394 : memref<512xi32, #tpu.memory_space<vmem>>) target_semaphore(%arg13 : memref<!tpu.dma_semaphore, #tpu.memory_space<semaphore_mem>>)
    %add3A_396 = arith.constant 393216 : i32
    %add3A_397 = arith.addi %add3A_396, %mul3A_2 : i32
    %dma_start3A_398 = arith.constant 12288 : i32
    %dma_start3A_399 = tpu.memref_slice %arg8[%dma_start3A_398] : memref<13312xf32, #tpu.memory_space<vmem>> -> memref<512xf32, #tpu.memory_space<vmem>>
    %dma_start3A_400 = tpu.memref_slice %arg3[%add3A_397] : memref<425984xf32, #tpu.memory_space<hbm>> -> memref<512xf32, #tpu.memory_space<hbm>>
    %dma_start3A_401 = arith.constant 12288 : i32
    %dma_start3A_402 = tpu.memref_slice %arg8[%dma_start3A_401] : memref<13312xf32, #tpu.memory_space<vmem>> -> memref<512xf32, #tpu.memory_space<vmem>>
    %dma_start3A_403 = tpu.memref_slice %arg3[%add3A_397] : memref<425984xf32, #tpu.memory_space<hbm>> -> memref<512xf32, #tpu.memory_space<hbm>>
    tpu.enqueue_dma source(%dma_start3A_403 : memref<512xf32, #tpu.memory_space<hbm>>) target(%dma_start3A_402 : memref<512xf32, #tpu.memory_space<vmem>>) target_semaphore(%arg14 : memref<!tpu.dma_semaphore, #tpu.memory_space<semaphore_mem>>)
    %add3A_404 = arith.constant 409600 : i32
    %add3A_405 = arith.addi %add3A_404, %mul3A_2 : i32
    %dma_start3A_406 = arith.constant 12800 : i32
    %dma_start3A_407 = tpu.memref_slice %arg7[%dma_start3A_406] : memref<13312xi32, #tpu.memory_space<vmem>> -> memref<512xi32, #tpu.memory_space<vmem>>
    %dma_start3A_408 = tpu.memref_slice %arg2[%add3A_405] : memref<425984xi32, #tpu.memory_space<hbm>> -> memref<512xi32, #tpu.memory_space<hbm>>
    %dma_start3A_409 = arith.constant 12800 : i32
    %dma_start3A_410 = tpu.memref_slice %arg7[%dma_start3A_409] : memref<13312xi32, #tpu.memory_space<vmem>> -> memref<512xi32, #tpu.memory_space<vmem>>
    %dma_start3A_411 = tpu.memref_slice %arg2[%add3A_405] : memref<425984xi32, #tpu.memory_space<hbm>> -> memref<512xi32, #tpu.memory_space<hbm>>
    tpu.enqueue_dma source(%dma_start3A_411 : memref<512xi32, #tpu.memory_space<hbm>>) target(%dma_start3A_410 : memref<512xi32, #tpu.memory_space<vmem>>) target_semaphore(%arg13 : memref<!tpu.dma_semaphore, #tpu.memory_space<semaphore_mem>>)
    %add3A_412 = arith.constant 409600 : i32
    %add3A_413 = arith.addi %add3A_412, %mul3A_2 : i32
    %dma_start3A_414 = arith.constant 12800 : i32
    %dma_start3A_415 = tpu.memref_slice %arg8[%dma_start3A_414] : memref<13312xf32, #tpu.memory_space<vmem>> -> memref<512xf32, #tpu.memory_space<vmem>>
    %dma_start3A_416 = tpu.memref_slice %arg3[%add3A_413] : memref<425984xf32, #tpu.memory_space<hbm>> -> memref<512xf32, #tpu.memory_space<hbm>>
    %dma_start3A_417 = arith.constant 12800 : i32
    %dma_start3A_418 = tpu.memref_slice %arg8[%dma_start3A_417] : memref<13312xf32, #tpu.memory_space<vmem>> -> memref<512xf32, #tpu.memory_space<vmem>>
    %dma_start3A_419 = tpu.memref_slice %arg3[%add3A_413] : memref<425984xf32, #tpu.memory_space<hbm>> -> memref<512xf32, #tpu.memory_space<hbm>>
    tpu.enqueue_dma source(%dma_start3A_419 : memref<512xf32, #tpu.memory_space<hbm>>) target(%dma_start3A_418 : memref<512xf32, #tpu.memory_space<vmem>>) target_semaphore(%arg14 : memref<!tpu.dma_semaphore, #tpu.memory_space<semaphore_mem>>)
    "tpu.region"() ({
      %run_scoped3A = tpu.sem_alloc : memref<!tpu.dma_semaphore, #tpu.memory_space<semaphore_mem>>
      %dma_start3A_749 = arith.constant 0 : i32
      %dma_start3A_750 = tpu.memref_slice %arg11[%dma_start3A_749] : memref<16xf32, #tpu.memory_space<vmem>> -> memref<1xf32, #tpu.memory_space<vmem>>
      %dma_start3A_751 = arith.constant 0 : i32
      %dma_start3A_752 = tpu.memref_slice %arg11[%dma_start3A_751] : memref<16xf32, #tpu.memory_space<vmem>> -> memref<1xf32, #tpu.memory_space<vmem>>
      tpu.enqueue_dma source(%arg5 : memref<1xf32, #tpu.memory_space<hbm>>) target(%dma_start3A_752 : memref<1xf32, #tpu.memory_space<vmem>>) target_semaphore(%run_scoped3A : memref<!tpu.dma_semaphore, #tpu.memory_space<semaphore_mem>>)
      %dma_wait3A_753 = arith.constant 0 : i32
      %dma_wait3A_754 = tpu.memref_slice %arg11[%dma_wait3A_753] : memref<16xf32, #tpu.memory_space<vmem>> -> memref<1xf32, #tpu.memory_space<vmem>>
      %dma_wait3A_755 = arith.constant 0 : i32
      %dma_wait3A_756 = tpu.memref_slice %arg11[%dma_wait3A_755] : memref<16xf32, #tpu.memory_space<vmem>> -> memref<1xf32, #tpu.memory_space<vmem>>
      tpu.wait_dma2 semaphore(%run_scoped3A : memref<!tpu.dma_semaphore, #tpu.memory_space<semaphore_mem>>) src(%arg5 : memref<1xf32, #tpu.memory_space<hbm>>) dst(%dma_wait3A_756 : memref<1xf32, #tpu.memory_space<vmem>>)
      tpu.yield
    }) : () -> ()
    %dma_wait3A = arith.constant 0 : i32
    %dma_wait3A_420 = tpu.memref_slice %arg7[%dma_wait3A] : memref<13312xi32, #tpu.memory_space<vmem>> -> memref<512xi32, #tpu.memory_space<vmem>>
    %dma_wait3A_421 = tpu.memref_slice %arg2[%add3A_6] : memref<425984xi32, #tpu.memory_space<hbm>> -> memref<512xi32, #tpu.memory_space<hbm>>
    %dma_wait3A_422 = arith.constant 0 : i32
    %dma_wait3A_423 = tpu.memref_slice %arg7[%dma_wait3A_422] : memref<13312xi32, #tpu.memory_space<vmem>> -> memref<512xi32, #tpu.memory_space<vmem>>
    %dma_wait3A_424 = tpu.memref_slice %arg2[%add3A_6] : memref<425984xi32, #tpu.memory_space<hbm>> -> memref<512xi32, #tpu.memory_space<hbm>>
    tpu.wait_dma2 semaphore(%arg13 : memref<!tpu.dma_semaphore, #tpu.memory_space<semaphore_mem>>) src(%dma_wait3A_424 : memref<512xi32, #tpu.memory_space<hbm>>) dst(%dma_wait3A_423 : memref<512xi32, #tpu.memory_space<vmem>>)
    %dma_wait3A_425 = arith.constant 0 : i32
    %dma_wait3A_426 = tpu.memref_slice %arg8[%dma_wait3A_425] : memref<13312xf32, #tpu.memory_space<vmem>> -> memref<512xf32, #tpu.memory_space<vmem>>
    %dma_wait3A_427 = tpu.memref_slice %arg3[%add3A_13] : memref<425984xf32, #tpu.memory_space<hbm>> -> memref<512xf32, #tpu.memory_space<hbm>>
    %dma_wait3A_428 = arith.constant 0 : i32
    %dma_wait3A_429 = tpu.memref_slice %arg8[%dma_wait3A_428] : memref<13312xf32, #tpu.memory_space<vmem>> -> memref<512xf32, #tpu.memory_space<vmem>>
    %dma_wait3A_430 = tpu.memref_slice %arg3[%add3A_13] : memref<425984xf32, #tpu.memory_space<hbm>> -> memref<512xf32, #tpu.memory_space<hbm>>
    tpu.wait_dma2 semaphore(%arg14 : memref<!tpu.dma_semaphore, #tpu.memory_space<semaphore_mem>>) src(%dma_wait3A_430 : memref<512xf32, #tpu.memory_space<hbm>>) dst(%dma_wait3A_429 : memref<512xf32, #tpu.memory_space<vmem>>)
    %dma_wait3A_431 = arith.constant 512 : i32
    %dma_wait3A_432 = tpu.memref_slice %arg7[%dma_wait3A_431] : memref<13312xi32, #tpu.memory_space<vmem>> -> memref<512xi32, #tpu.memory_space<vmem>>
    %dma_wait3A_433 = tpu.memref_slice %arg2[%add3A_21] : memref<425984xi32, #tpu.memory_space<hbm>> -> memref<512xi32, #tpu.memory_space<hbm>>
    %dma_wait3A_434 = arith.constant 512 : i32
    %dma_wait3A_435 = tpu.memref_slice %arg7[%dma_wait3A_434] : memref<13312xi32, #tpu.memory_space<vmem>> -> memref<512xi32, #tpu.memory_space<vmem>>
    %dma_wait3A_436 = tpu.memref_slice %arg2[%add3A_21] : memref<425984xi32, #tpu.memory_space<hbm>> -> memref<512xi32, #tpu.memory_space<hbm>>
    tpu.wait_dma2 semaphore(%arg13 : memref<!tpu.dma_semaphore, #tpu.memory_space<semaphore_mem>>) src(%dma_wait3A_436 : memref<512xi32, #tpu.memory_space<hbm>>) dst(%dma_wait3A_435 : memref<512xi32, #tpu.memory_space<vmem>>)
    %dma_wait3A_437 = arith.constant 512 : i32
    %dma_wait3A_438 = tpu.memref_slice %arg8[%dma_wait3A_437] : memref<13312xf32, #tpu.memory_space<vmem>> -> memref<512xf32, #tpu.memory_space<vmem>>
    %dma_wait3A_439 = tpu.memref_slice %arg3[%add3A_29] : memref<425984xf32, #tpu.memory_space<hbm>> -> memref<512xf32, #tpu.memory_space<hbm>>
    %dma_wait3A_440 = arith.constant 512 : i32
    %dma_wait3A_441 = tpu.memref_slice %arg8[%dma_wait3A_440] : memref<13312xf32, #tpu.memory_space<vmem>> -> memref<512xf32, #tpu.memory_space<vmem>>
    %dma_wait3A_442 = tpu.memref_slice %arg3[%add3A_29] : memref<425984xf32, #tpu.memory_space<hbm>> -> memref<512xf32, #tpu.memory_space<hbm>>
    tpu.wait_dma2 semaphore(%arg14 : memref<!tpu.dma_semaphore, #tpu.memory_space<semaphore_mem>>) src(%dma_wait3A_442 : memref<512xf32, #tpu.memory_space<hbm>>) dst(%dma_wait3A_441 : memref<512xf32, #tpu.memory_space<vmem>>)
    %dma_wait3A_443 = arith.constant 1024 : i32
    %dma_wait3A_444 = tpu.memref_slice %arg7[%dma_wait3A_443] : memref<13312xi32, #tpu.memory_space<vmem>> -> memref<512xi32, #tpu.memory_space<vmem>>
    %dma_wait3A_445 = tpu.memref_slice %arg2[%add3A_37] : memref<425984xi32, #tpu.memory_space<hbm>> -> memref<512xi32, #tpu.memory_space<hbm>>
    %dma_wait3A_446 = arith.constant 1024 : i32
    %dma_wait3A_447 = tpu.memref_slice %arg7[%dma_wait3A_446] : memref<13312xi32, #tpu.memory_space<vmem>> -> memref<512xi32, #tpu.memory_space<vmem>>
    %dma_wait3A_448 = tpu.memref_slice %arg2[%add3A_37] : memref<425984xi32, #tpu.memory_space<hbm>> -> memref<512xi32, #tpu.memory_space<hbm>>
    tpu.wait_dma2 semaphore(%arg13 : memref<!tpu.dma_semaphore, #tpu.memory_space<semaphore_mem>>) src(%dma_wait3A_448 : memref<512xi32, #tpu.memory_space<hbm>>) dst(%dma_wait3A_447 : memref<512xi32, #tpu.memory_space<vmem>>)
    %dma_wait3A_449 = arith.constant 1024 : i32
    %dma_wait3A_450 = tpu.memref_slice %arg8[%dma_wait3A_449] : memref<13312xf32, #tpu.memory_space<vmem>> -> memref<512xf32, #tpu.memory_space<vmem>>
    %dma_wait3A_451 = tpu.memref_slice %arg3[%add3A_45] : memref<425984xf32, #tpu.memory_space<hbm>> -> memref<512xf32, #tpu.memory_space<hbm>>
    %dma_wait3A_452 = arith.constant 1024 : i32
    %dma_wait3A_453 = tpu.memref_slice %arg8[%dma_wait3A_452] : memref<13312xf32, #tpu.memory_space<vmem>> -> memref<512xf32, #tpu.memory_space<vmem>>
    %dma_wait3A_454 = tpu.memref_slice %arg3[%add3A_45] : memref<425984xf32, #tpu.memory_space<hbm>> -> memref<512xf32, #tpu.memory_space<hbm>>
    tpu.wait_dma2 semaphore(%arg14 : memref<!tpu.dma_semaphore, #tpu.memory_space<semaphore_mem>>) src(%dma_wait3A_454 : memref<512xf32, #tpu.memory_space<hbm>>) dst(%dma_wait3A_453 : memref<512xf32, #tpu.memory_space<vmem>>)
    %dma_wait3A_455 = arith.constant 1536 : i32
    %dma_wait3A_456 = tpu.memref_slice %arg7[%dma_wait3A_455] : memref<13312xi32, #tpu.memory_space<vmem>> -> memref<512xi32, #tpu.memory_space<vmem>>
    %dma_wait3A_457 = tpu.memref_slice %arg2[%add3A_53] : memref<425984xi32, #tpu.memory_space<hbm>> -> memref<512xi32, #tpu.memory_space<hbm>>
    %dma_wait3A_458 = arith.constant 1536 : i32
    %dma_wait3A_459 = tpu.memref_slice %arg7[%dma_wait3A_458] : memref<13312xi32, #tpu.memory_space<vmem>> -> memref<512xi32, #tpu.memory_space<vmem>>
    %dma_wait3A_460 = tpu.memref_slice %arg2[%add3A_53] : memref<425984xi32, #tpu.memory_space<hbm>> -> memref<512xi32, #tpu.memory_space<hbm>>
    tpu.wait_dma2 semaphore(%arg13 : memref<!tpu.dma_semaphore, #tpu.memory_space<semaphore_mem>>) src(%dma_wait3A_460 : memref<512xi32, #tpu.memory_space<hbm>>) dst(%dma_wait3A_459 : memref<512xi32, #tpu.memory_space<vmem>>)
    %dma_wait3A_461 = arith.constant 1536 : i32
    %dma_wait3A_462 = tpu.memref_slice %arg8[%dma_wait3A_461] : memref<13312xf32, #tpu.memory_space<vmem>> -> memref<512xf32, #tpu.memory_space<vmem>>
    %dma_wait3A_463 = tpu.memref_slice %arg3[%add3A_61] : memref<425984xf32, #tpu.memory_space<hbm>> -> memref<512xf32, #tpu.memory_space<hbm>>
    %dma_wait3A_464 = arith.constant 1536 : i32
    %dma_wait3A_465 = tpu.memref_slice %arg8[%dma_wait3A_464] : memref<13312xf32, #tpu.memory_space<vmem>> -> memref<512xf32, #tpu.memory_space<vmem>>
    %dma_wait3A_466 = tpu.memref_slice %arg3[%add3A_61] : memref<425984xf32, #tpu.memory_space<hbm>> -> memref<512xf32, #tpu.memory_space<hbm>>
    tpu.wait_dma2 semaphore(%arg14 : memref<!tpu.dma_semaphore, #tpu.memory_space<semaphore_mem>>) src(%dma_wait3A_466 : memref<512xf32, #tpu.memory_space<hbm>>) dst(%dma_wait3A_465 : memref<512xf32, #tpu.memory_space<vmem>>)
    %dma_wait3A_467 = arith.constant 2048 : i32
    %dma_wait3A_468 = tpu.memref_slice %arg7[%dma_wait3A_467] : memref<13312xi32, #tpu.memory_space<vmem>> -> memref<512xi32, #tpu.memory_space<vmem>>
    %dma_wait3A_469 = tpu.memref_slice %arg2[%add3A_69] : memref<425984xi32, #tpu.memory_space<hbm>> -> memref<512xi32, #tpu.memory_space<hbm>>
    %dma_wait3A_470 = arith.constant 2048 : i32
    %dma_wait3A_471 = tpu.memref_slice %arg7[%dma_wait3A_470] : memref<13312xi32, #tpu.memory_space<vmem>> -> memref<512xi32, #tpu.memory_space<vmem>>
    %dma_wait3A_472 = tpu.memref_slice %arg2[%add3A_69] : memref<425984xi32, #tpu.memory_space<hbm>> -> memref<512xi32, #tpu.memory_space<hbm>>
    tpu.wait_dma2 semaphore(%arg13 : memref<!tpu.dma_semaphore, #tpu.memory_space<semaphore_mem>>) src(%dma_wait3A_472 : memref<512xi32, #tpu.memory_space<hbm>>) dst(%dma_wait3A_471 : memref<512xi32, #tpu.memory_space<vmem>>)
    %dma_wait3A_473 = arith.constant 2048 : i32
    %dma_wait3A_474 = tpu.memref_slice %arg8[%dma_wait3A_473] : memref<13312xf32, #tpu.memory_space<vmem>> -> memref<512xf32, #tpu.memory_space<vmem>>
    %dma_wait3A_475 = tpu.memref_slice %arg3[%add3A_77] : memref<425984xf32, #tpu.memory_space<hbm>> -> memref<512xf32, #tpu.memory_space<hbm>>
    %dma_wait3A_476 = arith.constant 2048 : i32
    %dma_wait3A_477 = tpu.memref_slice %arg8[%dma_wait3A_476] : memref<13312xf32, #tpu.memory_space<vmem>> -> memref<512xf32, #tpu.memory_space<vmem>>
    %dma_wait3A_478 = tpu.memref_slice %arg3[%add3A_77] : memref<425984xf32, #tpu.memory_space<hbm>> -> memref<512xf32, #tpu.memory_space<hbm>>
    tpu.wait_dma2 semaphore(%arg14 : memref<!tpu.dma_semaphore, #tpu.memory_space<semaphore_mem>>) src(%dma_wait3A_478 : memref<512xf32, #tpu.memory_space<hbm>>) dst(%dma_wait3A_477 : memref<512xf32, #tpu.memory_space<vmem>>)
    %dma_wait3A_479 = arith.constant 2560 : i32
    %dma_wait3A_480 = tpu.memref_slice %arg7[%dma_wait3A_479] : memref<13312xi32, #tpu.memory_space<vmem>> -> memref<512xi32, #tpu.memory_space<vmem>>
    %dma_wait3A_481 = tpu.memref_slice %arg2[%add3A_85] : memref<425984xi32, #tpu.memory_space<hbm>> -> memref<512xi32, #tpu.memory_space<hbm>>
    %dma_wait3A_482 = arith.constant 2560 : i32
    %dma_wait3A_483 = tpu.memref_slice %arg7[%dma_wait3A_482] : memref<13312xi32, #tpu.memory_space<vmem>> -> memref<512xi32, #tpu.memory_space<vmem>>
    %dma_wait3A_484 = tpu.memref_slice %arg2[%add3A_85] : memref<425984xi32, #tpu.memory_space<hbm>> -> memref<512xi32, #tpu.memory_space<hbm>>
    tpu.wait_dma2 semaphore(%arg13 : memref<!tpu.dma_semaphore, #tpu.memory_space<semaphore_mem>>) src(%dma_wait3A_484 : memref<512xi32, #tpu.memory_space<hbm>>) dst(%dma_wait3A_483 : memref<512xi32, #tpu.memory_space<vmem>>)
    %dma_wait3A_485 = arith.constant 2560 : i32
    %dma_wait3A_486 = tpu.memref_slice %arg8[%dma_wait3A_485] : memref<13312xf32, #tpu.memory_space<vmem>> -> memref<512xf32, #tpu.memory_space<vmem>>
    %dma_wait3A_487 = tpu.memref_slice %arg3[%add3A_93] : memref<425984xf32, #tpu.memory_space<hbm>> -> memref<512xf32, #tpu.memory_space<hbm>>
    %dma_wait3A_488 = arith.constant 2560 : i32
    %dma_wait3A_489 = tpu.memref_slice %arg8[%dma_wait3A_488] : memref<13312xf32, #tpu.memory_space<vmem>> -> memref<512xf32, #tpu.memory_space<vmem>>
    %dma_wait3A_490 = tpu.memref_slice %arg3[%add3A_93] : memref<425984xf32, #tpu.memory_space<hbm>> -> memref<512xf32, #tpu.memory_space<hbm>>
    tpu.wait_dma2 semaphore(%arg14 : memref<!tpu.dma_semaphore, #tpu.memory_space<semaphore_mem>>) src(%dma_wait3A_490 : memref<512xf32, #tpu.memory_space<hbm>>) dst(%dma_wait3A_489 : memref<512xf32, #tpu.memory_space<vmem>>)
    %dma_wait3A_491 = arith.constant 3072 : i32
    %dma_wait3A_492 = tpu.memref_slice %arg7[%dma_wait3A_491] : memref<13312xi32, #tpu.memory_space<vmem>> -> memref<512xi32, #tpu.memory_space<vmem>>
    %dma_wait3A_493 = tpu.memref_slice %arg2[%add3A_101] : memref<425984xi32, #tpu.memory_space<hbm>> -> memref<512xi32, #tpu.memory_space<hbm>>
    %dma_wait3A_494 = arith.constant 3072 : i32
    %dma_wait3A_495 = tpu.memref_slice %arg7[%dma_wait3A_494] : memref<13312xi32, #tpu.memory_space<vmem>> -> memref<512xi32, #tpu.memory_space<vmem>>
    %dma_wait3A_496 = tpu.memref_slice %arg2[%add3A_101] : memref<425984xi32, #tpu.memory_space<hbm>> -> memref<512xi32, #tpu.memory_space<hbm>>
    tpu.wait_dma2 semaphore(%arg13 : memref<!tpu.dma_semaphore, #tpu.memory_space<semaphore_mem>>) src(%dma_wait3A_496 : memref<512xi32, #tpu.memory_space<hbm>>) dst(%dma_wait3A_495 : memref<512xi32, #tpu.memory_space<vmem>>)
    %dma_wait3A_497 = arith.constant 3072 : i32
    %dma_wait3A_498 = tpu.memref_slice %arg8[%dma_wait3A_497] : memref<13312xf32, #tpu.memory_space<vmem>> -> memref<512xf32, #tpu.memory_space<vmem>>
    %dma_wait3A_499 = tpu.memref_slice %arg3[%add3A_109] : memref<425984xf32, #tpu.memory_space<hbm>> -> memref<512xf32, #tpu.memory_space<hbm>>
    %dma_wait3A_500 = arith.constant 3072 : i32
    %dma_wait3A_501 = tpu.memref_slice %arg8[%dma_wait3A_500] : memref<13312xf32, #tpu.memory_space<vmem>> -> memref<512xf32, #tpu.memory_space<vmem>>
    %dma_wait3A_502 = tpu.memref_slice %arg3[%add3A_109] : memref<425984xf32, #tpu.memory_space<hbm>> -> memref<512xf32, #tpu.memory_space<hbm>>
    tpu.wait_dma2 semaphore(%arg14 : memref<!tpu.dma_semaphore, #tpu.memory_space<semaphore_mem>>) src(%dma_wait3A_502 : memref<512xf32, #tpu.memory_space<hbm>>) dst(%dma_wait3A_501 : memref<512xf32, #tpu.memory_space<vmem>>)
    %dma_wait3A_503 = arith.constant 3584 : i32
    %dma_wait3A_504 = tpu.memref_slice %arg7[%dma_wait3A_503] : memref<13312xi32, #tpu.memory_space<vmem>> -> memref<512xi32, #tpu.memory_space<vmem>>
    %dma_wait3A_505 = tpu.memref_slice %arg2[%add3A_117] : memref<425984xi32, #tpu.memory_space<hbm>> -> memref<512xi32, #tpu.memory_space<hbm>>
    %dma_wait3A_506 = arith.constant 3584 : i32
    %dma_wait3A_507 = tpu.memref_slice %arg7[%dma_wait3A_506] : memref<13312xi32, #tpu.memory_space<vmem>> -> memref<512xi32, #tpu.memory_space<vmem>>
    %dma_wait3A_508 = tpu.memref_slice %arg2[%add3A_117] : memref<425984xi32, #tpu.memory_space<hbm>> -> memref<512xi32, #tpu.memory_space<hbm>>
    tpu.wait_dma2 semaphore(%arg13 : memref<!tpu.dma_semaphore, #tpu.memory_space<semaphore_mem>>) src(%dma_wait3A_508 : memref<512xi32, #tpu.memory_space<hbm>>) dst(%dma_wait3A_507 : memref<512xi32, #tpu.memory_space<vmem>>)
    %dma_wait3A_509 = arith.constant 3584 : i32
    %dma_wait3A_510 = tpu.memref_slice %arg8[%dma_wait3A_509] : memref<13312xf32, #tpu.memory_space<vmem>> -> memref<512xf32, #tpu.memory_space<vmem>>
    %dma_wait3A_511 = tpu.memref_slice %arg3[%add3A_125] : memref<425984xf32, #tpu.memory_space<hbm>> -> memref<512xf32, #tpu.memory_space<hbm>>
    %dma_wait3A_512 = arith.constant 3584 : i32
    %dma_wait3A_513 = tpu.memref_slice %arg8[%dma_wait3A_512] : memref<13312xf32, #tpu.memory_space<vmem>> -> memref<512xf32, #tpu.memory_space<vmem>>
    %dma_wait3A_514 = tpu.memref_slice %arg3[%add3A_125] : memref<425984xf32, #tpu.memory_space<hbm>> -> memref<512xf32, #tpu.memory_space<hbm>>
    tpu.wait_dma2 semaphore(%arg14 : memref<!tpu.dma_semaphore, #tpu.memory_space<semaphore_mem>>) src(%dma_wait3A_514 : memref<512xf32, #tpu.memory_space<hbm>>) dst(%dma_wait3A_513 : memref<512xf32, #tpu.memory_space<vmem>>)
    %dma_wait3A_515 = arith.constant 4096 : i32
    %dma_wait3A_516 = tpu.memref_slice %arg7[%dma_wait3A_515] : memref<13312xi32, #tpu.memory_space<vmem>> -> memref<512xi32, #tpu.memory_space<vmem>>
    %dma_wait3A_517 = tpu.memref_slice %arg2[%add3A_133] : memref<425984xi32, #tpu.memory_space<hbm>> -> memref<512xi32, #tpu.memory_space<hbm>>
    %dma_wait3A_518 = arith.constant 4096 : i32
    %dma_wait3A_519 = tpu.memref_slice %arg7[%dma_wait3A_518] : memref<13312xi32, #tpu.memory_space<vmem>> -> memref<512xi32, #tpu.memory_space<vmem>>
    %dma_wait3A_520 = tpu.memref_slice %arg2[%add3A_133] : memref<425984xi32, #tpu.memory_space<hbm>> -> memref<512xi32, #tpu.memory_space<hbm>>
    tpu.wait_dma2 semaphore(%arg13 : memref<!tpu.dma_semaphore, #tpu.memory_space<semaphore_mem>>) src(%dma_wait3A_520 : memref<512xi32, #tpu.memory_space<hbm>>) dst(%dma_wait3A_519 : memref<512xi32, #tpu.memory_space<vmem>>)
    %dma_wait3A_521 = arith.constant 4096 : i32
    %dma_wait3A_522 = tpu.memref_slice %arg8[%dma_wait3A_521] : memref<13312xf32, #tpu.memory_space<vmem>> -> memref<512xf32, #tpu.memory_space<vmem>>
    %dma_wait3A_523 = tpu.memref_slice %arg3[%add3A_141] : memref<425984xf32, #tpu.memory_space<hbm>> -> memref<512xf32, #tpu.memory_space<hbm>>
    %dma_wait3A_524 = arith.constant 4096 : i32
    %dma_wait3A_525 = tpu.memref_slice %arg8[%dma_wait3A_524] : memref<13312xf32, #tpu.memory_space<vmem>> -> memref<512xf32, #tpu.memory_space<vmem>>
    %dma_wait3A_526 = tpu.memref_slice %arg3[%add3A_141] : memref<425984xf32, #tpu.memory_space<hbm>> -> memref<512xf32, #tpu.memory_space<hbm>>
    tpu.wait_dma2 semaphore(%arg14 : memref<!tpu.dma_semaphore, #tpu.memory_space<semaphore_mem>>) src(%dma_wait3A_526 : memref<512xf32, #tpu.memory_space<hbm>>) dst(%dma_wait3A_525 : memref<512xf32, #tpu.memory_space<vmem>>)
    %dma_wait3A_527 = arith.constant 4608 : i32
    %dma_wait3A_528 = tpu.memref_slice %arg7[%dma_wait3A_527] : memref<13312xi32, #tpu.memory_space<vmem>> -> memref<512xi32, #tpu.memory_space<vmem>>
    %dma_wait3A_529 = tpu.memref_slice %arg2[%add3A_149] : memref<425984xi32, #tpu.memory_space<hbm>> -> memref<512xi32, #tpu.memory_space<hbm>>
    %dma_wait3A_530 = arith.constant 4608 : i32
    %dma_wait3A_531 = tpu.memref_slice %arg7[%dma_wait3A_530] : memref<13312xi32, #tpu.memory_space<vmem>> -> memref<512xi32, #tpu.memory_space<vmem>>
    %dma_wait3A_532 = tpu.memref_slice %arg2[%add3A_149] : memref<425984xi32, #tpu.memory_space<hbm>> -> memref<512xi32, #tpu.memory_space<hbm>>
    tpu.wait_dma2 semaphore(%arg13 : memref<!tpu.dma_semaphore, #tpu.memory_space<semaphore_mem>>) src(%dma_wait3A_532 : memref<512xi32, #tpu.memory_space<hbm>>) dst(%dma_wait3A_531 : memref<512xi32, #tpu.memory_space<vmem>>)
    %dma_wait3A_533 = arith.constant 4608 : i32
    %dma_wait3A_534 = tpu.memref_slice %arg8[%dma_wait3A_533] : memref<13312xf32, #tpu.memory_space<vmem>> -> memref<512xf32, #tpu.memory_space<vmem>>
    %dma_wait3A_535 = tpu.memref_slice %arg3[%add3A_157] : memref<425984xf32, #tpu.memory_space<hbm>> -> memref<512xf32, #tpu.memory_space<hbm>>
    %dma_wait3A_536 = arith.constant 4608 : i32
    %dma_wait3A_537 = tpu.memref_slice %arg8[%dma_wait3A_536] : memref<13312xf32, #tpu.memory_space<vmem>> -> memref<512xf32, #tpu.memory_space<vmem>>
    %dma_wait3A_538 = tpu.memref_slice %arg3[%add3A_157] : memref<425984xf32, #tpu.memory_space<hbm>> -> memref<512xf32, #tpu.memory_space<hbm>>
    tpu.wait_dma2 semaphore(%arg14 : memref<!tpu.dma_semaphore, #tpu.memory_space<semaphore_mem>>) src(%dma_wait3A_538 : memref<512xf32, #tpu.memory_space<hbm>>) dst(%dma_wait3A_537 : memref<512xf32, #tpu.memory_space<vmem>>)
    %dma_wait3A_539 = arith.constant 5120 : i32
    %dma_wait3A_540 = tpu.memref_slice %arg7[%dma_wait3A_539] : memref<13312xi32, #tpu.memory_space<vmem>> -> memref<512xi32, #tpu.memory_space<vmem>>
    %dma_wait3A_541 = tpu.memref_slice %arg2[%add3A_165] : memref<425984xi32, #tpu.memory_space<hbm>> -> memref<512xi32, #tpu.memory_space<hbm>>
    %dma_wait3A_542 = arith.constant 5120 : i32
    %dma_wait3A_543 = tpu.memref_slice %arg7[%dma_wait3A_542] : memref<13312xi32, #tpu.memory_space<vmem>> -> memref<512xi32, #tpu.memory_space<vmem>>
    %dma_wait3A_544 = tpu.memref_slice %arg2[%add3A_165] : memref<425984xi32, #tpu.memory_space<hbm>> -> memref<512xi32, #tpu.memory_space<hbm>>
    tpu.wait_dma2 semaphore(%arg13 : memref<!tpu.dma_semaphore, #tpu.memory_space<semaphore_mem>>) src(%dma_wait3A_544 : memref<512xi32, #tpu.memory_space<hbm>>) dst(%dma_wait3A_543 : memref<512xi32, #tpu.memory_space<vmem>>)
    %dma_wait3A_545 = arith.constant 5120 : i32
    %dma_wait3A_546 = tpu.memref_slice %arg8[%dma_wait3A_545] : memref<13312xf32, #tpu.memory_space<vmem>> -> memref<512xf32, #tpu.memory_space<vmem>>
    %dma_wait3A_547 = tpu.memref_slice %arg3[%add3A_173] : memref<425984xf32, #tpu.memory_space<hbm>> -> memref<512xf32, #tpu.memory_space<hbm>>
    %dma_wait3A_548 = arith.constant 5120 : i32
    %dma_wait3A_549 = tpu.memref_slice %arg8[%dma_wait3A_548] : memref<13312xf32, #tpu.memory_space<vmem>> -> memref<512xf32, #tpu.memory_space<vmem>>
    %dma_wait3A_550 = tpu.memref_slice %arg3[%add3A_173] : memref<425984xf32, #tpu.memory_space<hbm>> -> memref<512xf32, #tpu.memory_space<hbm>>
    tpu.wait_dma2 semaphore(%arg14 : memref<!tpu.dma_semaphore, #tpu.memory_space<semaphore_mem>>) src(%dma_wait3A_550 : memref<512xf32, #tpu.memory_space<hbm>>) dst(%dma_wait3A_549 : memref<512xf32, #tpu.memory_space<vmem>>)
    %dma_wait3A_551 = arith.constant 5632 : i32
    %dma_wait3A_552 = tpu.memref_slice %arg7[%dma_wait3A_551] : memref<13312xi32, #tpu.memory_space<vmem>> -> memref<512xi32, #tpu.memory_space<vmem>>
    %dma_wait3A_553 = tpu.memref_slice %arg2[%add3A_181] : memref<425984xi32, #tpu.memory_space<hbm>> -> memref<512xi32, #tpu.memory_space<hbm>>
    %dma_wait3A_554 = arith.constant 5632 : i32
    %dma_wait3A_555 = tpu.memref_slice %arg7[%dma_wait3A_554] : memref<13312xi32, #tpu.memory_space<vmem>> -> memref<512xi32, #tpu.memory_space<vmem>>
    %dma_wait3A_556 = tpu.memref_slice %arg2[%add3A_181] : memref<425984xi32, #tpu.memory_space<hbm>> -> memref<512xi32, #tpu.memory_space<hbm>>
    tpu.wait_dma2 semaphore(%arg13 : memref<!tpu.dma_semaphore, #tpu.memory_space<semaphore_mem>>) src(%dma_wait3A_556 : memref<512xi32, #tpu.memory_space<hbm>>) dst(%dma_wait3A_555 : memref<512xi32, #tpu.memory_space<vmem>>)
    %dma_wait3A_557 = arith.constant 5632 : i32
    %dma_wait3A_558 = tpu.memref_slice %arg8[%dma_wait3A_557] : memref<13312xf32, #tpu.memory_space<vmem>> -> memref<512xf32, #tpu.memory_space<vmem>>
    %dma_wait3A_559 = tpu.memref_slice %arg3[%add3A_189] : memref<425984xf32, #tpu.memory_space<hbm>> -> memref<512xf32, #tpu.memory_space<hbm>>
    %dma_wait3A_560 = arith.constant 5632 : i32
    %dma_wait3A_561 = tpu.memref_slice %arg8[%dma_wait3A_560] : memref<13312xf32, #tpu.memory_space<vmem>> -> memref<512xf32, #tpu.memory_space<vmem>>
    %dma_wait3A_562 = tpu.memref_slice %arg3[%add3A_189] : memref<425984xf32, #tpu.memory_space<hbm>> -> memref<512xf32, #tpu.memory_space<hbm>>
    tpu.wait_dma2 semaphore(%arg14 : memref<!tpu.dma_semaphore, #tpu.memory_space<semaphore_mem>>) src(%dma_wait3A_562 : memref<512xf32, #tpu.memory_space<hbm>>) dst(%dma_wait3A_561 : memref<512xf32, #tpu.memory_space<vmem>>)
    %dma_wait3A_563 = arith.constant 6144 : i32
    %dma_wait3A_564 = tpu.memref_slice %arg7[%dma_wait3A_563] : memref<13312xi32, #tpu.memory_space<vmem>> -> memref<512xi32, #tpu.memory_space<vmem>>
    %dma_wait3A_565 = tpu.memref_slice %arg2[%add3A_197] : memref<425984xi32, #tpu.memory_space<hbm>> -> memref<512xi32, #tpu.memory_space<hbm>>
    %dma_wait3A_566 = arith.constant 6144 : i32
    %dma_wait3A_567 = tpu.memref_slice %arg7[%dma_wait3A_566] : memref<13312xi32, #tpu.memory_space<vmem>> -> memref<512xi32, #tpu.memory_space<vmem>>
    %dma_wait3A_568 = tpu.memref_slice %arg2[%add3A_197] : memref<425984xi32, #tpu.memory_space<hbm>> -> memref<512xi32, #tpu.memory_space<hbm>>
    tpu.wait_dma2 semaphore(%arg13 : memref<!tpu.dma_semaphore, #tpu.memory_space<semaphore_mem>>) src(%dma_wait3A_568 : memref<512xi32, #tpu.memory_space<hbm>>) dst(%dma_wait3A_567 : memref<512xi32, #tpu.memory_space<vmem>>)
    %dma_wait3A_569 = arith.constant 6144 : i32
    %dma_wait3A_570 = tpu.memref_slice %arg8[%dma_wait3A_569] : memref<13312xf32, #tpu.memory_space<vmem>> -> memref<512xf32, #tpu.memory_space<vmem>>
    %dma_wait3A_571 = tpu.memref_slice %arg3[%add3A_205] : memref<425984xf32, #tpu.memory_space<hbm>> -> memref<512xf32, #tpu.memory_space<hbm>>
    %dma_wait3A_572 = arith.constant 6144 : i32
    %dma_wait3A_573 = tpu.memref_slice %arg8[%dma_wait3A_572] : memref<13312xf32, #tpu.memory_space<vmem>> -> memref<512xf32, #tpu.memory_space<vmem>>
    %dma_wait3A_574 = tpu.memref_slice %arg3[%add3A_205] : memref<425984xf32, #tpu.memory_space<hbm>> -> memref<512xf32, #tpu.memory_space<hbm>>
    tpu.wait_dma2 semaphore(%arg14 : memref<!tpu.dma_semaphore, #tpu.memory_space<semaphore_mem>>) src(%dma_wait3A_574 : memref<512xf32, #tpu.memory_space<hbm>>) dst(%dma_wait3A_573 : memref<512xf32, #tpu.memory_space<vmem>>)
    %dma_wait3A_575 = arith.constant 6656 : i32
    %dma_wait3A_576 = tpu.memref_slice %arg7[%dma_wait3A_575] : memref<13312xi32, #tpu.memory_space<vmem>> -> memref<512xi32, #tpu.memory_space<vmem>>
    %dma_wait3A_577 = tpu.memref_slice %arg2[%add3A_213] : memref<425984xi32, #tpu.memory_space<hbm>> -> memref<512xi32, #tpu.memory_space<hbm>>
    %dma_wait3A_578 = arith.constant 6656 : i32
    %dma_wait3A_579 = tpu.memref_slice %arg7[%dma_wait3A_578] : memref<13312xi32, #tpu.memory_space<vmem>> -> memref<512xi32, #tpu.memory_space<vmem>>
    %dma_wait3A_580 = tpu.memref_slice %arg2[%add3A_213] : memref<425984xi32, #tpu.memory_space<hbm>> -> memref<512xi32, #tpu.memory_space<hbm>>
    tpu.wait_dma2 semaphore(%arg13 : memref<!tpu.dma_semaphore, #tpu.memory_space<semaphore_mem>>) src(%dma_wait3A_580 : memref<512xi32, #tpu.memory_space<hbm>>) dst(%dma_wait3A_579 : memref<512xi32, #tpu.memory_space<vmem>>)
    %dma_wait3A_581 = arith.constant 6656 : i32
    %dma_wait3A_582 = tpu.memref_slice %arg8[%dma_wait3A_581] : memref<13312xf32, #tpu.memory_space<vmem>> -> memref<512xf32, #tpu.memory_space<vmem>>
    %dma_wait3A_583 = tpu.memref_slice %arg3[%add3A_221] : memref<425984xf32, #tpu.memory_space<hbm>> -> memref<512xf32, #tpu.memory_space<hbm>>
    %dma_wait3A_584 = arith.constant 6656 : i32
    %dma_wait3A_585 = tpu.memref_slice %arg8[%dma_wait3A_584] : memref<13312xf32, #tpu.memory_space<vmem>> -> memref<512xf32, #tpu.memory_space<vmem>>
    %dma_wait3A_586 = tpu.memref_slice %arg3[%add3A_221] : memref<425984xf32, #tpu.memory_space<hbm>> -> memref<512xf32, #tpu.memory_space<hbm>>
    tpu.wait_dma2 semaphore(%arg14 : memref<!tpu.dma_semaphore, #tpu.memory_space<semaphore_mem>>) src(%dma_wait3A_586 : memref<512xf32, #tpu.memory_space<hbm>>) dst(%dma_wait3A_585 : memref<512xf32, #tpu.memory_space<vmem>>)
    %dma_wait3A_587 = arith.constant 7168 : i32
    %dma_wait3A_588 = tpu.memref_slice %arg7[%dma_wait3A_587] : memref<13312xi32, #tpu.memory_space<vmem>> -> memref<512xi32, #tpu.memory_space<vmem>>
    %dma_wait3A_589 = tpu.memref_slice %arg2[%add3A_229] : memref<425984xi32, #tpu.memory_space<hbm>> -> memref<512xi32, #tpu.memory_space<hbm>>
    %dma_wait3A_590 = arith.constant 7168 : i32
    %dma_wait3A_591 = tpu.memref_slice %arg7[%dma_wait3A_590] : memref<13312xi32, #tpu.memory_space<vmem>> -> memref<512xi32, #tpu.memory_space<vmem>>
    %dma_wait3A_592 = tpu.memref_slice %arg2[%add3A_229] : memref<425984xi32, #tpu.memory_space<hbm>> -> memref<512xi32, #tpu.memory_space<hbm>>
    tpu.wait_dma2 semaphore(%arg13 : memref<!tpu.dma_semaphore, #tpu.memory_space<semaphore_mem>>) src(%dma_wait3A_592 : memref<512xi32, #tpu.memory_space<hbm>>) dst(%dma_wait3A_591 : memref<512xi32, #tpu.memory_space<vmem>>)
    %dma_wait3A_593 = arith.constant 7168 : i32
    %dma_wait3A_594 = tpu.memref_slice %arg8[%dma_wait3A_593] : memref<13312xf32, #tpu.memory_space<vmem>> -> memref<512xf32, #tpu.memory_space<vmem>>
    %dma_wait3A_595 = tpu.memref_slice %arg3[%add3A_237] : memref<425984xf32, #tpu.memory_space<hbm>> -> memref<512xf32, #tpu.memory_space<hbm>>
    %dma_wait3A_596 = arith.constant 7168 : i32
    %dma_wait3A_597 = tpu.memref_slice %arg8[%dma_wait3A_596] : memref<13312xf32, #tpu.memory_space<vmem>> -> memref<512xf32, #tpu.memory_space<vmem>>
    %dma_wait3A_598 = tpu.memref_slice %arg3[%add3A_237] : memref<425984xf32, #tpu.memory_space<hbm>> -> memref<512xf32, #tpu.memory_space<hbm>>
    tpu.wait_dma2 semaphore(%arg14 : memref<!tpu.dma_semaphore, #tpu.memory_space<semaphore_mem>>) src(%dma_wait3A_598 : memref<512xf32, #tpu.memory_space<hbm>>) dst(%dma_wait3A_597 : memref<512xf32, #tpu.memory_space<vmem>>)
    %dma_wait3A_599 = arith.constant 7680 : i32
    %dma_wait3A_600 = tpu.memref_slice %arg7[%dma_wait3A_599] : memref<13312xi32, #tpu.memory_space<vmem>> -> memref<512xi32, #tpu.memory_space<vmem>>
    %dma_wait3A_601 = tpu.memref_slice %arg2[%add3A_245] : memref<425984xi32, #tpu.memory_space<hbm>> -> memref<512xi32, #tpu.memory_space<hbm>>
    %dma_wait3A_602 = arith.constant 7680 : i32
    %dma_wait3A_603 = tpu.memref_slice %arg7[%dma_wait3A_602] : memref<13312xi32, #tpu.memory_space<vmem>> -> memref<512xi32, #tpu.memory_space<vmem>>
    %dma_wait3A_604 = tpu.memref_slice %arg2[%add3A_245] : memref<425984xi32, #tpu.memory_space<hbm>> -> memref<512xi32, #tpu.memory_space<hbm>>
    tpu.wait_dma2 semaphore(%arg13 : memref<!tpu.dma_semaphore, #tpu.memory_space<semaphore_mem>>) src(%dma_wait3A_604 : memref<512xi32, #tpu.memory_space<hbm>>) dst(%dma_wait3A_603 : memref<512xi32, #tpu.memory_space<vmem>>)
    %dma_wait3A_605 = arith.constant 7680 : i32
    %dma_wait3A_606 = tpu.memref_slice %arg8[%dma_wait3A_605] : memref<13312xf32, #tpu.memory_space<vmem>> -> memref<512xf32, #tpu.memory_space<vmem>>
    %dma_wait3A_607 = tpu.memref_slice %arg3[%add3A_253] : memref<425984xf32, #tpu.memory_space<hbm>> -> memref<512xf32, #tpu.memory_space<hbm>>
    %dma_wait3A_608 = arith.constant 7680 : i32
    %dma_wait3A_609 = tpu.memref_slice %arg8[%dma_wait3A_608] : memref<13312xf32, #tpu.memory_space<vmem>> -> memref<512xf32, #tpu.memory_space<vmem>>
    %dma_wait3A_610 = tpu.memref_slice %arg3[%add3A_253] : memref<425984xf32, #tpu.memory_space<hbm>> -> memref<512xf32, #tpu.memory_space<hbm>>
    tpu.wait_dma2 semaphore(%arg14 : memref<!tpu.dma_semaphore, #tpu.memory_space<semaphore_mem>>) src(%dma_wait3A_610 : memref<512xf32, #tpu.memory_space<hbm>>) dst(%dma_wait3A_609 : memref<512xf32, #tpu.memory_space<vmem>>)
    %dma_wait3A_611 = arith.constant 8192 : i32
    %dma_wait3A_612 = tpu.memref_slice %arg7[%dma_wait3A_611] : memref<13312xi32, #tpu.memory_space<vmem>> -> memref<512xi32, #tpu.memory_space<vmem>>
    %dma_wait3A_613 = tpu.memref_slice %arg2[%add3A_261] : memref<425984xi32, #tpu.memory_space<hbm>> -> memref<512xi32, #tpu.memory_space<hbm>>
    %dma_wait3A_614 = arith.constant 8192 : i32
    %dma_wait3A_615 = tpu.memref_slice %arg7[%dma_wait3A_614] : memref<13312xi32, #tpu.memory_space<vmem>> -> memref<512xi32, #tpu.memory_space<vmem>>
    %dma_wait3A_616 = tpu.memref_slice %arg2[%add3A_261] : memref<425984xi32, #tpu.memory_space<hbm>> -> memref<512xi32, #tpu.memory_space<hbm>>
    tpu.wait_dma2 semaphore(%arg13 : memref<!tpu.dma_semaphore, #tpu.memory_space<semaphore_mem>>) src(%dma_wait3A_616 : memref<512xi32, #tpu.memory_space<hbm>>) dst(%dma_wait3A_615 : memref<512xi32, #tpu.memory_space<vmem>>)
    %dma_wait3A_617 = arith.constant 8192 : i32
    %dma_wait3A_618 = tpu.memref_slice %arg8[%dma_wait3A_617] : memref<13312xf32, #tpu.memory_space<vmem>> -> memref<512xf32, #tpu.memory_space<vmem>>
    %dma_wait3A_619 = tpu.memref_slice %arg3[%add3A_269] : memref<425984xf32, #tpu.memory_space<hbm>> -> memref<512xf32, #tpu.memory_space<hbm>>
    %dma_wait3A_620 = arith.constant 8192 : i32
    %dma_wait3A_621 = tpu.memref_slice %arg8[%dma_wait3A_620] : memref<13312xf32, #tpu.memory_space<vmem>> -> memref<512xf32, #tpu.memory_space<vmem>>
    %dma_wait3A_622 = tpu.memref_slice %arg3[%add3A_269] : memref<425984xf32, #tpu.memory_space<hbm>> -> memref<512xf32, #tpu.memory_space<hbm>>
    tpu.wait_dma2 semaphore(%arg14 : memref<!tpu.dma_semaphore, #tpu.memory_space<semaphore_mem>>) src(%dma_wait3A_622 : memref<512xf32, #tpu.memory_space<hbm>>) dst(%dma_wait3A_621 : memref<512xf32, #tpu.memory_space<vmem>>)
    %dma_wait3A_623 = arith.constant 8704 : i32
    %dma_wait3A_624 = tpu.memref_slice %arg7[%dma_wait3A_623] : memref<13312xi32, #tpu.memory_space<vmem>> -> memref<512xi32, #tpu.memory_space<vmem>>
    %dma_wait3A_625 = tpu.memref_slice %arg2[%add3A_277] : memref<425984xi32, #tpu.memory_space<hbm>> -> memref<512xi32, #tpu.memory_space<hbm>>
    %dma_wait3A_626 = arith.constant 8704 : i32
    %dma_wait3A_627 = tpu.memref_slice %arg7[%dma_wait3A_626] : memref<13312xi32, #tpu.memory_space<vmem>> -> memref<512xi32, #tpu.memory_space<vmem>>
    %dma_wait3A_628 = tpu.memref_slice %arg2[%add3A_277] : memref<425984xi32, #tpu.memory_space<hbm>> -> memref<512xi32, #tpu.memory_space<hbm>>
    tpu.wait_dma2 semaphore(%arg13 : memref<!tpu.dma_semaphore, #tpu.memory_space<semaphore_mem>>) src(%dma_wait3A_628 : memref<512xi32, #tpu.memory_space<hbm>>) dst(%dma_wait3A_627 : memref<512xi32, #tpu.memory_space<vmem>>)
    %dma_wait3A_629 = arith.constant 8704 : i32
    %dma_wait3A_630 = tpu.memref_slice %arg8[%dma_wait3A_629] : memref<13312xf32, #tpu.memory_space<vmem>> -> memref<512xf32, #tpu.memory_space<vmem>>
    %dma_wait3A_631 = tpu.memref_slice %arg3[%add3A_285] : memref<425984xf32, #tpu.memory_space<hbm>> -> memref<512xf32, #tpu.memory_space<hbm>>
    %dma_wait3A_632 = arith.constant 8704 : i32
    %dma_wait3A_633 = tpu.memref_slice %arg8[%dma_wait3A_632] : memref<13312xf32, #tpu.memory_space<vmem>> -> memref<512xf32, #tpu.memory_space<vmem>>
    %dma_wait3A_634 = tpu.memref_slice %arg3[%add3A_285] : memref<425984xf32, #tpu.memory_space<hbm>> -> memref<512xf32, #tpu.memory_space<hbm>>
    tpu.wait_dma2 semaphore(%arg14 : memref<!tpu.dma_semaphore, #tpu.memory_space<semaphore_mem>>) src(%dma_wait3A_634 : memref<512xf32, #tpu.memory_space<hbm>>) dst(%dma_wait3A_633 : memref<512xf32, #tpu.memory_space<vmem>>)
    %dma_wait3A_635 = arith.constant 9216 : i32
    %dma_wait3A_636 = tpu.memref_slice %arg7[%dma_wait3A_635] : memref<13312xi32, #tpu.memory_space<vmem>> -> memref<512xi32, #tpu.memory_space<vmem>>
    %dma_wait3A_637 = tpu.memref_slice %arg2[%add3A_293] : memref<425984xi32, #tpu.memory_space<hbm>> -> memref<512xi32, #tpu.memory_space<hbm>>
    %dma_wait3A_638 = arith.constant 9216 : i32
    %dma_wait3A_639 = tpu.memref_slice %arg7[%dma_wait3A_638] : memref<13312xi32, #tpu.memory_space<vmem>> -> memref<512xi32, #tpu.memory_space<vmem>>
    %dma_wait3A_640 = tpu.memref_slice %arg2[%add3A_293] : memref<425984xi32, #tpu.memory_space<hbm>> -> memref<512xi32, #tpu.memory_space<hbm>>
    tpu.wait_dma2 semaphore(%arg13 : memref<!tpu.dma_semaphore, #tpu.memory_space<semaphore_mem>>) src(%dma_wait3A_640 : memref<512xi32, #tpu.memory_space<hbm>>) dst(%dma_wait3A_639 : memref<512xi32, #tpu.memory_space<vmem>>)
    %dma_wait3A_641 = arith.constant 9216 : i32
    %dma_wait3A_642 = tpu.memref_slice %arg8[%dma_wait3A_641] : memref<13312xf32, #tpu.memory_space<vmem>> -> memref<512xf32, #tpu.memory_space<vmem>>
    %dma_wait3A_643 = tpu.memref_slice %arg3[%add3A_301] : memref<425984xf32, #tpu.memory_space<hbm>> -> memref<512xf32, #tpu.memory_space<hbm>>
    %dma_wait3A_644 = arith.constant 9216 : i32
    %dma_wait3A_645 = tpu.memref_slice %arg8[%dma_wait3A_644] : memref<13312xf32, #tpu.memory_space<vmem>> -> memref<512xf32, #tpu.memory_space<vmem>>
    %dma_wait3A_646 = tpu.memref_slice %arg3[%add3A_301] : memref<425984xf32, #tpu.memory_space<hbm>> -> memref<512xf32, #tpu.memory_space<hbm>>
    tpu.wait_dma2 semaphore(%arg14 : memref<!tpu.dma_semaphore, #tpu.memory_space<semaphore_mem>>) src(%dma_wait3A_646 : memref<512xf32, #tpu.memory_space<hbm>>) dst(%dma_wait3A_645 : memref<512xf32, #tpu.memory_space<vmem>>)
    %dma_wait3A_647 = arith.constant 9728 : i32
    %dma_wait3A_648 = tpu.memref_slice %arg7[%dma_wait3A_647] : memref<13312xi32, #tpu.memory_space<vmem>> -> memref<512xi32, #tpu.memory_space<vmem>>
    %dma_wait3A_649 = tpu.memref_slice %arg2[%add3A_309] : memref<425984xi32, #tpu.memory_space<hbm>> -> memref<512xi32, #tpu.memory_space<hbm>>
    %dma_wait3A_650 = arith.constant 9728 : i32
    %dma_wait3A_651 = tpu.memref_slice %arg7[%dma_wait3A_650] : memref<13312xi32, #tpu.memory_space<vmem>> -> memref<512xi32, #tpu.memory_space<vmem>>
    %dma_wait3A_652 = tpu.memref_slice %arg2[%add3A_309] : memref<425984xi32, #tpu.memory_space<hbm>> -> memref<512xi32, #tpu.memory_space<hbm>>
    tpu.wait_dma2 semaphore(%arg13 : memref<!tpu.dma_semaphore, #tpu.memory_space<semaphore_mem>>) src(%dma_wait3A_652 : memref<512xi32, #tpu.memory_space<hbm>>) dst(%dma_wait3A_651 : memref<512xi32, #tpu.memory_space<vmem>>)
    %dma_wait3A_653 = arith.constant 9728 : i32
    %dma_wait3A_654 = tpu.memref_slice %arg8[%dma_wait3A_653] : memref<13312xf32, #tpu.memory_space<vmem>> -> memref<512xf32, #tpu.memory_space<vmem>>
    %dma_wait3A_655 = tpu.memref_slice %arg3[%add3A_317] : memref<425984xf32, #tpu.memory_space<hbm>> -> memref<512xf32, #tpu.memory_space<hbm>>
    %dma_wait3A_656 = arith.constant 9728 : i32
    %dma_wait3A_657 = tpu.memref_slice %arg8[%dma_wait3A_656] : memref<13312xf32, #tpu.memory_space<vmem>> -> memref<512xf32, #tpu.memory_space<vmem>>
    %dma_wait3A_658 = tpu.memref_slice %arg3[%add3A_317] : memref<425984xf32, #tpu.memory_space<hbm>> -> memref<512xf32, #tpu.memory_space<hbm>>
    tpu.wait_dma2 semaphore(%arg14 : memref<!tpu.dma_semaphore, #tpu.memory_space<semaphore_mem>>) src(%dma_wait3A_658 : memref<512xf32, #tpu.memory_space<hbm>>) dst(%dma_wait3A_657 : memref<512xf32, #tpu.memory_space<vmem>>)
    %dma_wait3A_659 = arith.constant 10240 : i32
    %dma_wait3A_660 = tpu.memref_slice %arg7[%dma_wait3A_659] : memref<13312xi32, #tpu.memory_space<vmem>> -> memref<512xi32, #tpu.memory_space<vmem>>
    %dma_wait3A_661 = tpu.memref_slice %arg2[%add3A_325] : memref<425984xi32, #tpu.memory_space<hbm>> -> memref<512xi32, #tpu.memory_space<hbm>>
    %dma_wait3A_662 = arith.constant 10240 : i32
    %dma_wait3A_663 = tpu.memref_slice %arg7[%dma_wait3A_662] : memref<13312xi32, #tpu.memory_space<vmem>> -> memref<512xi32, #tpu.memory_space<vmem>>
    %dma_wait3A_664 = tpu.memref_slice %arg2[%add3A_325] : memref<425984xi32, #tpu.memory_space<hbm>> -> memref<512xi32, #tpu.memory_space<hbm>>
    tpu.wait_dma2 semaphore(%arg13 : memref<!tpu.dma_semaphore, #tpu.memory_space<semaphore_mem>>) src(%dma_wait3A_664 : memref<512xi32, #tpu.memory_space<hbm>>) dst(%dma_wait3A_663 : memref<512xi32, #tpu.memory_space<vmem>>)
    %dma_wait3A_665 = arith.constant 10240 : i32
    %dma_wait3A_666 = tpu.memref_slice %arg8[%dma_wait3A_665] : memref<13312xf32, #tpu.memory_space<vmem>> -> memref<512xf32, #tpu.memory_space<vmem>>
    %dma_wait3A_667 = tpu.memref_slice %arg3[%add3A_333] : memref<425984xf32, #tpu.memory_space<hbm>> -> memref<512xf32, #tpu.memory_space<hbm>>
    %dma_wait3A_668 = arith.constant 10240 : i32
    %dma_wait3A_669 = tpu.memref_slice %arg8[%dma_wait3A_668] : memref<13312xf32, #tpu.memory_space<vmem>> -> memref<512xf32, #tpu.memory_space<vmem>>
    %dma_wait3A_670 = tpu.memref_slice %arg3[%add3A_333] : memref<425984xf32, #tpu.memory_space<hbm>> -> memref<512xf32, #tpu.memory_space<hbm>>
    tpu.wait_dma2 semaphore(%arg14 : memref<!tpu.dma_semaphore, #tpu.memory_space<semaphore_mem>>) src(%dma_wait3A_670 : memref<512xf32, #tpu.memory_space<hbm>>) dst(%dma_wait3A_669 : memref<512xf32, #tpu.memory_space<vmem>>)
    %dma_wait3A_671 = arith.constant 10752 : i32
    %dma_wait3A_672 = tpu.memref_slice %arg7[%dma_wait3A_671] : memref<13312xi32, #tpu.memory_space<vmem>> -> memref<512xi32, #tpu.memory_space<vmem>>
    %dma_wait3A_673 = tpu.memref_slice %arg2[%add3A_341] : memref<425984xi32, #tpu.memory_space<hbm>> -> memref<512xi32, #tpu.memory_space<hbm>>
    %dma_wait3A_674 = arith.constant 10752 : i32
    %dma_wait3A_675 = tpu.memref_slice %arg7[%dma_wait3A_674] : memref<13312xi32, #tpu.memory_space<vmem>> -> memref<512xi32, #tpu.memory_space<vmem>>
    %dma_wait3A_676 = tpu.memref_slice %arg2[%add3A_341] : memref<425984xi32, #tpu.memory_space<hbm>> -> memref<512xi32, #tpu.memory_space<hbm>>
    tpu.wait_dma2 semaphore(%arg13 : memref<!tpu.dma_semaphore, #tpu.memory_space<semaphore_mem>>) src(%dma_wait3A_676 : memref<512xi32, #tpu.memory_space<hbm>>) dst(%dma_wait3A_675 : memref<512xi32, #tpu.memory_space<vmem>>)
    %dma_wait3A_677 = arith.constant 10752 : i32
    %dma_wait3A_678 = tpu.memref_slice %arg8[%dma_wait3A_677] : memref<13312xf32, #tpu.memory_space<vmem>> -> memref<512xf32, #tpu.memory_space<vmem>>
    %dma_wait3A_679 = tpu.memref_slice %arg3[%add3A_349] : memref<425984xf32, #tpu.memory_space<hbm>> -> memref<512xf32, #tpu.memory_space<hbm>>
    %dma_wait3A_680 = arith.constant 10752 : i32
    %dma_wait3A_681 = tpu.memref_slice %arg8[%dma_wait3A_680] : memref<13312xf32, #tpu.memory_space<vmem>> -> memref<512xf32, #tpu.memory_space<vmem>>
    %dma_wait3A_682 = tpu.memref_slice %arg3[%add3A_349] : memref<425984xf32, #tpu.memory_space<hbm>> -> memref<512xf32, #tpu.memory_space<hbm>>
    tpu.wait_dma2 semaphore(%arg14 : memref<!tpu.dma_semaphore, #tpu.memory_space<semaphore_mem>>) src(%dma_wait3A_682 : memref<512xf32, #tpu.memory_space<hbm>>) dst(%dma_wait3A_681 : memref<512xf32, #tpu.memory_space<vmem>>)
    %dma_wait3A_683 = arith.constant 11264 : i32
    %dma_wait3A_684 = tpu.memref_slice %arg7[%dma_wait3A_683] : memref<13312xi32, #tpu.memory_space<vmem>> -> memref<512xi32, #tpu.memory_space<vmem>>
    %dma_wait3A_685 = tpu.memref_slice %arg2[%add3A_357] : memref<425984xi32, #tpu.memory_space<hbm>> -> memref<512xi32, #tpu.memory_space<hbm>>
    %dma_wait3A_686 = arith.constant 11264 : i32
    %dma_wait3A_687 = tpu.memref_slice %arg7[%dma_wait3A_686] : memref<13312xi32, #tpu.memory_space<vmem>> -> memref<512xi32, #tpu.memory_space<vmem>>
    %dma_wait3A_688 = tpu.memref_slice %arg2[%add3A_357] : memref<425984xi32, #tpu.memory_space<hbm>> -> memref<512xi32, #tpu.memory_space<hbm>>
    tpu.wait_dma2 semaphore(%arg13 : memref<!tpu.dma_semaphore, #tpu.memory_space<semaphore_mem>>) src(%dma_wait3A_688 : memref<512xi32, #tpu.memory_space<hbm>>) dst(%dma_wait3A_687 : memref<512xi32, #tpu.memory_space<vmem>>)
    %dma_wait3A_689 = arith.constant 11264 : i32
    %dma_wait3A_690 = tpu.memref_slice %arg8[%dma_wait3A_689] : memref<13312xf32, #tpu.memory_space<vmem>> -> memref<512xf32, #tpu.memory_space<vmem>>
    %dma_wait3A_691 = tpu.memref_slice %arg3[%add3A_365] : memref<425984xf32, #tpu.memory_space<hbm>> -> memref<512xf32, #tpu.memory_space<hbm>>
    %dma_wait3A_692 = arith.constant 11264 : i32
    %dma_wait3A_693 = tpu.memref_slice %arg8[%dma_wait3A_692] : memref<13312xf32, #tpu.memory_space<vmem>> -> memref<512xf32, #tpu.memory_space<vmem>>
    %dma_wait3A_694 = tpu.memref_slice %arg3[%add3A_365] : memref<425984xf32, #tpu.memory_space<hbm>> -> memref<512xf32, #tpu.memory_space<hbm>>
    tpu.wait_dma2 semaphore(%arg14 : memref<!tpu.dma_semaphore, #tpu.memory_space<semaphore_mem>>) src(%dma_wait3A_694 : memref<512xf32, #tpu.memory_space<hbm>>) dst(%dma_wait3A_693 : memref<512xf32, #tpu.memory_space<vmem>>)
    %dma_wait3A_695 = arith.constant 11776 : i32
    %dma_wait3A_696 = tpu.memref_slice %arg7[%dma_wait3A_695] : memref<13312xi32, #tpu.memory_space<vmem>> -> memref<512xi32, #tpu.memory_space<vmem>>
    %dma_wait3A_697 = tpu.memref_slice %arg2[%add3A_373] : memref<425984xi32, #tpu.memory_space<hbm>> -> memref<512xi32, #tpu.memory_space<hbm>>
    %dma_wait3A_698 = arith.constant 11776 : i32
    %dma_wait3A_699 = tpu.memref_slice %arg7[%dma_wait3A_698] : memref<13312xi32, #tpu.memory_space<vmem>> -> memref<512xi32, #tpu.memory_space<vmem>>
    %dma_wait3A_700 = tpu.memref_slice %arg2[%add3A_373] : memref<425984xi32, #tpu.memory_space<hbm>> -> memref<512xi32, #tpu.memory_space<hbm>>
    tpu.wait_dma2 semaphore(%arg13 : memref<!tpu.dma_semaphore, #tpu.memory_space<semaphore_mem>>) src(%dma_wait3A_700 : memref<512xi32, #tpu.memory_space<hbm>>) dst(%dma_wait3A_699 : memref<512xi32, #tpu.memory_space<vmem>>)
    %dma_wait3A_701 = arith.constant 11776 : i32
    %dma_wait3A_702 = tpu.memref_slice %arg8[%dma_wait3A_701] : memref<13312xf32, #tpu.memory_space<vmem>> -> memref<512xf32, #tpu.memory_space<vmem>>
    %dma_wait3A_703 = tpu.memref_slice %arg3[%add3A_381] : memref<425984xf32, #tpu.memory_space<hbm>> -> memref<512xf32, #tpu.memory_space<hbm>>
    %dma_wait3A_704 = arith.constant 11776 : i32
    %dma_wait3A_705 = tpu.memref_slice %arg8[%dma_wait3A_704] : memref<13312xf32, #tpu.memory_space<vmem>> -> memref<512xf32, #tpu.memory_space<vmem>>
    %dma_wait3A_706 = tpu.memref_slice %arg3[%add3A_381] : memref<425984xf32, #tpu.memory_space<hbm>> -> memref<512xf32, #tpu.memory_space<hbm>>
    tpu.wait_dma2 semaphore(%arg14 : memref<!tpu.dma_semaphore, #tpu.memory_space<semaphore_mem>>) src(%dma_wait3A_706 : memref<512xf32, #tpu.memory_space<hbm>>) dst(%dma_wait3A_705 : memref<512xf32, #tpu.memory_space<vmem>>)
    %dma_wait3A_707 = arith.constant 12288 : i32
    %dma_wait3A_708 = tpu.memref_slice %arg7[%dma_wait3A_707] : memref<13312xi32, #tpu.memory_space<vmem>> -> memref<512xi32, #tpu.memory_space<vmem>>
    %dma_wait3A_709 = tpu.memref_slice %arg2[%add3A_389] : memref<425984xi32, #tpu.memory_space<hbm>> -> memref<512xi32, #tpu.memory_space<hbm>>
    %dma_wait3A_710 = arith.constant 12288 : i32
    %dma_wait3A_711 = tpu.memref_slice %arg7[%dma_wait3A_710] : memref<13312xi32, #tpu.memory_space<vmem>> -> memref<512xi32, #tpu.memory_space<vmem>>
    %dma_wait3A_712 = tpu.memref_slice %arg2[%add3A_389] : memref<425984xi32, #tpu.memory_space<hbm>> -> memref<512xi32, #tpu.memory_space<hbm>>
    tpu.wait_dma2 semaphore(%arg13 : memref<!tpu.dma_semaphore, #tpu.memory_space<semaphore_mem>>) src(%dma_wait3A_712 : memref<512xi32, #tpu.memory_space<hbm>>) dst(%dma_wait3A_711 : memref<512xi32, #tpu.memory_space<vmem>>)
    %dma_wait3A_713 = arith.constant 12288 : i32
    %dma_wait3A_714 = tpu.memref_slice %arg8[%dma_wait3A_713] : memref<13312xf32, #tpu.memory_space<vmem>> -> memref<512xf32, #tpu.memory_space<vmem>>
    %dma_wait3A_715 = tpu.memref_slice %arg3[%add3A_397] : memref<425984xf32, #tpu.memory_space<hbm>> -> memref<512xf32, #tpu.memory_space<hbm>>
    %dma_wait3A_716 = arith.constant 12288 : i32
    %dma_wait3A_717 = tpu.memref_slice %arg8[%dma_wait3A_716] : memref<13312xf32, #tpu.memory_space<vmem>> -> memref<512xf32, #tpu.memory_space<vmem>>
    %dma_wait3A_718 = tpu.memref_slice %arg3[%add3A_397] : memref<425984xf32, #tpu.memory_space<hbm>> -> memref<512xf32, #tpu.memory_space<hbm>>
    tpu.wait_dma2 semaphore(%arg14 : memref<!tpu.dma_semaphore, #tpu.memory_space<semaphore_mem>>) src(%dma_wait3A_718 : memref<512xf32, #tpu.memory_space<hbm>>) dst(%dma_wait3A_717 : memref<512xf32, #tpu.memory_space<vmem>>)
    %dma_wait3A_719 = arith.constant 12800 : i32
    %dma_wait3A_720 = tpu.memref_slice %arg7[%dma_wait3A_719] : memref<13312xi32, #tpu.memory_space<vmem>> -> memref<512xi32, #tpu.memory_space<vmem>>
    %dma_wait3A_721 = tpu.memref_slice %arg2[%add3A_405] : memref<425984xi32, #tpu.memory_space<hbm>> -> memref<512xi32, #tpu.memory_space<hbm>>
    %dma_wait3A_722 = arith.constant 12800 : i32
    %dma_wait3A_723 = tpu.memref_slice %arg7[%dma_wait3A_722] : memref<13312xi32, #tpu.memory_space<vmem>> -> memref<512xi32, #tpu.memory_space<vmem>>
    %dma_wait3A_724 = tpu.memref_slice %arg2[%add3A_405] : memref<425984xi32, #tpu.memory_space<hbm>> -> memref<512xi32, #tpu.memory_space<hbm>>
    tpu.wait_dma2 semaphore(%arg13 : memref<!tpu.dma_semaphore, #tpu.memory_space<semaphore_mem>>) src(%dma_wait3A_724 : memref<512xi32, #tpu.memory_space<hbm>>) dst(%dma_wait3A_723 : memref<512xi32, #tpu.memory_space<vmem>>)
    %dma_wait3A_725 = arith.constant 12800 : i32
    %dma_wait3A_726 = tpu.memref_slice %arg8[%dma_wait3A_725] : memref<13312xf32, #tpu.memory_space<vmem>> -> memref<512xf32, #tpu.memory_space<vmem>>
    %dma_wait3A_727 = tpu.memref_slice %arg3[%add3A_413] : memref<425984xf32, #tpu.memory_space<hbm>> -> memref<512xf32, #tpu.memory_space<hbm>>
    %dma_wait3A_728 = arith.constant 12800 : i32
    %dma_wait3A_729 = tpu.memref_slice %arg8[%dma_wait3A_728] : memref<13312xf32, #tpu.memory_space<vmem>> -> memref<512xf32, #tpu.memory_space<vmem>>
    %dma_wait3A_730 = tpu.memref_slice %arg3[%add3A_413] : memref<425984xf32, #tpu.memory_space<hbm>> -> memref<512xf32, #tpu.memory_space<hbm>>
    tpu.wait_dma2 semaphore(%arg14 : memref<!tpu.dma_semaphore, #tpu.memory_space<semaphore_mem>>) src(%dma_wait3A_730 : memref<512xf32, #tpu.memory_space<hbm>>) dst(%dma_wait3A_729 : memref<512xf32, #tpu.memory_space<vmem>>)
    %barrier3A = arith.constant 0 : index
    tpu.barrier barrier_id(%barrier3A)
    %dma_start3A_731 = arith.constant 0 : i32
    %dma_start3A_732 = arith.constant 0 : i32
    %dma_start3A_733 = tpu.memref_slice %arg12[%dma_start3A_731, %dma_start3A_732] : memref<1x1000000xf32, #tpu.memory_space<vmem_shared>> -> memref<1x1000000xf32, #tpu.memory_space<vmem_shared>>
    %dma_start3A_734 = tpu.memref_squeeze %dma_start3A_733 : memref<1x1000000xf32, #tpu.memory_space<vmem_shared>> -> memref<1000000xf32, #tpu.memory_space<vmem_shared>>
    %dma_start3A_735 = arith.constant 0 : i32
    %dma_start3A_736 = tpu.memref_slice %dma_start3A_734[%dma_start3A_735] : memref<1000000xf32, #tpu.memory_space<vmem_shared>> -> memref<1000000xf32, #tpu.memory_space<vmem_shared>>
    tpu.enqueue_indirect_dma source(%dma_start3A_736 : memref<1000000xf32, #tpu.memory_space<vmem_shared>>) target(%arg9 : memref<13312xf32, #tpu.memory_space<vmem>>) offsets(%arg7 : memref<13312xi32, #tpu.memory_space<vmem>>) semaphore(%arg13 : memref<!tpu.dma_semaphore, #tpu.memory_space<semaphore_mem>>)
    %dma_wait3A_737 = arith.constant 0 : i32
    %dma_wait3A_738 = arith.constant 0 : i32
    %dma_wait3A_739 = tpu.memref_slice %arg12[%dma_wait3A_737, %dma_wait3A_738] : memref<1x1000000xf32, #tpu.memory_space<vmem_shared>> -> memref<1x1000000xf32, #tpu.memory_space<vmem_shared>>
    %dma_wait3A_740 = tpu.memref_squeeze %dma_wait3A_739 : memref<1x1000000xf32, #tpu.memory_space<vmem_shared>> -> memref<1000000xf32, #tpu.memory_space<vmem_shared>>
    %dma_wait3A_741 = arith.constant 0 : i32
    %dma_wait3A_742 = tpu.memref_slice %dma_wait3A_740[%dma_wait3A_741] : memref<1000000xf32, #tpu.memory_space<vmem_shared>> -> memref<1000000xf32, #tpu.memory_space<vmem_shared>>
    tpu.wait_indirect_dma semaphore(%arg13 : memref<!tpu.dma_semaphore, #tpu.memory_space<semaphore_mem>>) src(%dma_wait3A_742 : memref<1000000xf32, #tpu.memory_space<vmem_shared>>) dst(%arg9 : memref<13312xf32, #tpu.memory_space<vmem>>)
    %get3A = arith.constant 0 : index
    %get3A_743 = tpu.vector_load %arg11[%get3A] {strides = array<i32>} : memref<16xf32, #tpu.memory_space<vmem>>, vector<16xf32>,
    %slice3A = vector.extract_strided_slice %get3A_743 {offsets = [0], sizes = [1], strides = [1]} : vector<16xf32> to vector<1xf32>
    %squeeze3A = vector.extract %slice3A[0] : f32 from vector<1xf32>
    %scan3A = arith.constant 0 : i32
    %scan3A_744 = arith.constant 0 : i32
    %scan3A_745 = arith.constant 32 : i32
    %scan3A_746 = arith.addi %scan3A_744, %scan3A_745 : i32
    %scan3A_747 = arith.constant 1 : i32
    scf.for %scan3A_749 = %scan3A_744 to %scan3A_746 step %scan3A_747  : i32 {
      %mul3A_750 = arith.constant 16 : i32
      %mul3A_751 = arith.muli %scan3A_749, %mul3A_750 : i32
      %broadcast_in_dim3A = arith.constant 0.000000e+00 : f32
      %broadcast_in_dim3A_752 = vector.broadcast %broadcast_in_dim3A : f32 to vector<16xf32>
      %add3A_753 = arith.constant 0 : i32
      %add3A_754 = arith.addi %add3A_753, %mul3A_751 : i32
      %get3A_755 = arith.index_cast %add3A_754 : i32 to index
      %get3A_756 = tpu.vector_load %arg9[%get3A_755] {strides = array<i32>} : memref<13312xf32, #tpu.memory_space<vmem>>, vector<16xf32>,
      %add3A_757 = arith.constant 0 : i32
      %add3A_758 = arith.addi %add3A_757, %mul3A_751 : i32
      %get3A_759 = arith.index_cast %add3A_758 : i32 to index
      %get3A_760 = tpu.vector_load %arg8[%get3A_759] {strides = array<i32>} : memref<13312xf32, #tpu.memory_space<vmem>>, vector<16xf32>,
      %mul3A_761 = arith.mulf %get3A_756, %get3A_760 : vector<16xf32>
      %add3A_762 = arith.addf %broadcast_in_dim3A_752, %mul3A_761 : vector<16xf32>
      %add3A_763 = arith.constant 512 : i32
      %add3A_764 = arith.addi %add3A_763, %mul3A_751 : i32
      %get3A_765 = arith.index_cast %add3A_764 : i32 to index
      %get3A_766 = tpu.vector_load %arg9[%get3A_765] {strides = array<i32>} : memref<13312xf32, #tpu.memory_space<vmem>>, vector<16xf32>,
      %add3A_767 = arith.constant 512 : i32
      %add3A_768 = arith.addi %add3A_767, %mul3A_751 : i32
      %get3A_769 = arith.index_cast %add3A_768 : i32 to index
      %get3A_770 = tpu.vector_load %arg8[%get3A_769] {strides = array<i32>} : memref<13312xf32, #tpu.memory_space<vmem>>, vector<16xf32>,
      %mul3A_771 = arith.mulf %get3A_766, %get3A_770 : vector<16xf32>
      %add3A_772 = arith.addf %add3A_762, %mul3A_771 : vector<16xf32>
      %add3A_773 = arith.constant 1024 : i32
      %add3A_774 = arith.addi %add3A_773, %mul3A_751 : i32
      %get3A_775 = arith.index_cast %add3A_774 : i32 to index
      %get3A_776 = tpu.vector_load %arg9[%get3A_775] {strides = array<i32>} : memref<13312xf32, #tpu.memory_space<vmem>>, vector<16xf32>,
      %add3A_777 = arith.constant 1024 : i32
      %add3A_778 = arith.addi %add3A_777, %mul3A_751 : i32
      %get3A_779 = arith.index_cast %add3A_778 : i32 to index
      %get3A_780 = tpu.vector_load %arg8[%get3A_779] {strides = array<i32>} : memref<13312xf32, #tpu.memory_space<vmem>>, vector<16xf32>,
      %mul3A_781 = arith.mulf %get3A_776, %get3A_780 : vector<16xf32>
      %add3A_782 = arith.addf %add3A_772, %mul3A_781 : vector<16xf32>
      %add3A_783 = arith.constant 1536 : i32
      %add3A_784 = arith.addi %add3A_783, %mul3A_751 : i32
      %get3A_785 = arith.index_cast %add3A_784 : i32 to index
      %get3A_786 = tpu.vector_load %arg9[%get3A_785] {strides = array<i32>} : memref<13312xf32, #tpu.memory_space<vmem>>, vector<16xf32>,
      %add3A_787 = arith.constant 1536 : i32
      %add3A_788 = arith.addi %add3A_787, %mul3A_751 : i32
      %get3A_789 = arith.index_cast %add3A_788 : i32 to index
      %get3A_790 = tpu.vector_load %arg8[%get3A_789] {strides = array<i32>} : memref<13312xf32, #tpu.memory_space<vmem>>, vector<16xf32>,
      %mul3A_791 = arith.mulf %get3A_786, %get3A_790 : vector<16xf32>
      %add3A_792 = arith.addf %add3A_782, %mul3A_791 : vector<16xf32>
      %add3A_793 = arith.constant 2048 : i32
      %add3A_794 = arith.addi %add3A_793, %mul3A_751 : i32
      %get3A_795 = arith.index_cast %add3A_794 : i32 to index
      %get3A_796 = tpu.vector_load %arg9[%get3A_795] {strides = array<i32>} : memref<13312xf32, #tpu.memory_space<vmem>>, vector<16xf32>,
      %add3A_797 = arith.constant 2048 : i32
      %add3A_798 = arith.addi %add3A_797, %mul3A_751 : i32
      %get3A_799 = arith.index_cast %add3A_798 : i32 to index
      %get3A_800 = tpu.vector_load %arg8[%get3A_799] {strides = array<i32>} : memref<13312xf32, #tpu.memory_space<vmem>>, vector<16xf32>,
      %mul3A_801 = arith.mulf %get3A_796, %get3A_800 : vector<16xf32>
      %add3A_802 = arith.addf %add3A_792, %mul3A_801 : vector<16xf32>
      %add3A_803 = arith.constant 2560 : i32
      %add3A_804 = arith.addi %add3A_803, %mul3A_751 : i32
      %get3A_805 = arith.index_cast %add3A_804 : i32 to index
      %get3A_806 = tpu.vector_load %arg9[%get3A_805] {strides = array<i32>} : memref<13312xf32, #tpu.memory_space<vmem>>, vector<16xf32>,
      %add3A_807 = arith.constant 2560 : i32
      %add3A_808 = arith.addi %add3A_807, %mul3A_751 : i32
      %get3A_809 = arith.index_cast %add3A_808 : i32 to index
      %get3A_810 = tpu.vector_load %arg8[%get3A_809] {strides = array<i32>} : memref<13312xf32, #tpu.memory_space<vmem>>, vector<16xf32>,
      %mul3A_811 = arith.mulf %get3A_806, %get3A_810 : vector<16xf32>
      %add3A_812 = arith.addf %add3A_802, %mul3A_811 : vector<16xf32>
      %add3A_813 = arith.constant 3072 : i32
      %add3A_814 = arith.addi %add3A_813, %mul3A_751 : i32
      %get3A_815 = arith.index_cast %add3A_814 : i32 to index
      %get3A_816 = tpu.vector_load %arg9[%get3A_815] {strides = array<i32>} : memref<13312xf32, #tpu.memory_space<vmem>>, vector<16xf32>,
      %add3A_817 = arith.constant 3072 : i32
      %add3A_818 = arith.addi %add3A_817, %mul3A_751 : i32
      %get3A_819 = arith.index_cast %add3A_818 : i32 to index
      %get3A_820 = tpu.vector_load %arg8[%get3A_819] {strides = array<i32>} : memref<13312xf32, #tpu.memory_space<vmem>>, vector<16xf32>,
      %mul3A_821 = arith.mulf %get3A_816, %get3A_820 : vector<16xf32>
      %add3A_822 = arith.addf %add3A_812, %mul3A_821 : vector<16xf32>
      %add3A_823 = arith.constant 3584 : i32
      %add3A_824 = arith.addi %add3A_823, %mul3A_751 : i32
      %get3A_825 = arith.index_cast %add3A_824 : i32 to index
      %get3A_826 = tpu.vector_load %arg9[%get3A_825] {strides = array<i32>} : memref<13312xf32, #tpu.memory_space<vmem>>, vector<16xf32>,
      %add3A_827 = arith.constant 3584 : i32
      %add3A_828 = arith.addi %add3A_827, %mul3A_751 : i32
      %get3A_829 = arith.index_cast %add3A_828 : i32 to index
      %get3A_830 = tpu.vector_load %arg8[%get3A_829] {strides = array<i32>} : memref<13312xf32, #tpu.memory_space<vmem>>, vector<16xf32>,
      %mul3A_831 = arith.mulf %get3A_826, %get3A_830 : vector<16xf32>
      %add3A_832 = arith.addf %add3A_822, %mul3A_831 : vector<16xf32>
      %add3A_833 = arith.constant 4096 : i32
      %add3A_834 = arith.addi %add3A_833, %mul3A_751 : i32
      %get3A_835 = arith.index_cast %add3A_834 : i32 to index
      %get3A_836 = tpu.vector_load %arg9[%get3A_835] {strides = array<i32>} : memref<13312xf32, #tpu.memory_space<vmem>>, vector<16xf32>,
      %add3A_837 = arith.constant 4096 : i32
      %add3A_838 = arith.addi %add3A_837, %mul3A_751 : i32
      %get3A_839 = arith.index_cast %add3A_838 : i32 to index
      %get3A_840 = tpu.vector_load %arg8[%get3A_839] {strides = array<i32>} : memref<13312xf32, #tpu.memory_space<vmem>>, vector<16xf32>,
      %mul3A_841 = arith.mulf %get3A_836, %get3A_840 : vector<16xf32>
      %add3A_842 = arith.addf %add3A_832, %mul3A_841 : vector<16xf32>
      %add3A_843 = arith.constant 4608 : i32
      %add3A_844 = arith.addi %add3A_843, %mul3A_751 : i32
      %get3A_845 = arith.index_cast %add3A_844 : i32 to index
      %get3A_846 = tpu.vector_load %arg9[%get3A_845] {strides = array<i32>} : memref<13312xf32, #tpu.memory_space<vmem>>, vector<16xf32>,
      %add3A_847 = arith.constant 4608 : i32
      %add3A_848 = arith.addi %add3A_847, %mul3A_751 : i32
      %get3A_849 = arith.index_cast %add3A_848 : i32 to index
      %get3A_850 = tpu.vector_load %arg8[%get3A_849] {strides = array<i32>} : memref<13312xf32, #tpu.memory_space<vmem>>, vector<16xf32>,
      %mul3A_851 = arith.mulf %get3A_846, %get3A_850 : vector<16xf32>
      %add3A_852 = arith.addf %add3A_842, %mul3A_851 : vector<16xf32>
      %add3A_853 = arith.constant 5120 : i32
      %add3A_854 = arith.addi %add3A_853, %mul3A_751 : i32
      %get3A_855 = arith.index_cast %add3A_854 : i32 to index
      %get3A_856 = tpu.vector_load %arg9[%get3A_855] {strides = array<i32>} : memref<13312xf32, #tpu.memory_space<vmem>>, vector<16xf32>,
      %add3A_857 = arith.constant 5120 : i32
      %add3A_858 = arith.addi %add3A_857, %mul3A_751 : i32
      %get3A_859 = arith.index_cast %add3A_858 : i32 to index
      %get3A_860 = tpu.vector_load %arg8[%get3A_859] {strides = array<i32>} : memref<13312xf32, #tpu.memory_space<vmem>>, vector<16xf32>,
      %mul3A_861 = arith.mulf %get3A_856, %get3A_860 : vector<16xf32>
      %add3A_862 = arith.addf %add3A_852, %mul3A_861 : vector<16xf32>
      %add3A_863 = arith.constant 5632 : i32
      %add3A_864 = arith.addi %add3A_863, %mul3A_751 : i32
      %get3A_865 = arith.index_cast %add3A_864 : i32 to index
      %get3A_866 = tpu.vector_load %arg9[%get3A_865] {strides = array<i32>} : memref<13312xf32, #tpu.memory_space<vmem>>, vector<16xf32>,
      %add3A_867 = arith.constant 5632 : i32
      %add3A_868 = arith.addi %add3A_867, %mul3A_751 : i32
      %get3A_869 = arith.index_cast %add3A_868 : i32 to index
      %get3A_870 = tpu.vector_load %arg8[%get3A_869] {strides = array<i32>} : memref<13312xf32, #tpu.memory_space<vmem>>, vector<16xf32>,
      %mul3A_871 = arith.mulf %get3A_866, %get3A_870 : vector<16xf32>
      %add3A_872 = arith.addf %add3A_862, %mul3A_871 : vector<16xf32>
      %add3A_873 = arith.constant 6144 : i32
      %add3A_874 = arith.addi %add3A_873, %mul3A_751 : i32
      %get3A_875 = arith.index_cast %add3A_874 : i32 to index
      %get3A_876 = tpu.vector_load %arg9[%get3A_875] {strides = array<i32>} : memref<13312xf32, #tpu.memory_space<vmem>>, vector<16xf32>,
      %add3A_877 = arith.constant 6144 : i32
      %add3A_878 = arith.addi %add3A_877, %mul3A_751 : i32
      %get3A_879 = arith.index_cast %add3A_878 : i32 to index
      %get3A_880 = tpu.vector_load %arg8[%get3A_879] {strides = array<i32>} : memref<13312xf32, #tpu.memory_space<vmem>>, vector<16xf32>,
      %mul3A_881 = arith.mulf %get3A_876, %get3A_880 : vector<16xf32>
      %add3A_882 = arith.addf %add3A_872, %mul3A_881 : vector<16xf32>
      %add3A_883 = arith.constant 6656 : i32
      %add3A_884 = arith.addi %add3A_883, %mul3A_751 : i32
      %get3A_885 = arith.index_cast %add3A_884 : i32 to index
      %get3A_886 = tpu.vector_load %arg9[%get3A_885] {strides = array<i32>} : memref<13312xf32, #tpu.memory_space<vmem>>, vector<16xf32>,
      %add3A_887 = arith.constant 6656 : i32
      %add3A_888 = arith.addi %add3A_887, %mul3A_751 : i32
      %get3A_889 = arith.index_cast %add3A_888 : i32 to index
      %get3A_890 = tpu.vector_load %arg8[%get3A_889] {strides = array<i32>} : memref<13312xf32, #tpu.memory_space<vmem>>, vector<16xf32>,
      %mul3A_891 = arith.mulf %get3A_886, %get3A_890 : vector<16xf32>
      %add3A_892 = arith.addf %add3A_882, %mul3A_891 : vector<16xf32>
      %add3A_893 = arith.constant 7168 : i32
      %add3A_894 = arith.addi %add3A_893, %mul3A_751 : i32
      %get3A_895 = arith.index_cast %add3A_894 : i32 to index
      %get3A_896 = tpu.vector_load %arg9[%get3A_895] {strides = array<i32>} : memref<13312xf32, #tpu.memory_space<vmem>>, vector<16xf32>,
      %add3A_897 = arith.constant 7168 : i32
      %add3A_898 = arith.addi %add3A_897, %mul3A_751 : i32
      %get3A_899 = arith.index_cast %add3A_898 : i32 to index
      %get3A_900 = tpu.vector_load %arg8[%get3A_899] {strides = array<i32>} : memref<13312xf32, #tpu.memory_space<vmem>>, vector<16xf32>,
      %mul3A_901 = arith.mulf %get3A_896, %get3A_900 : vector<16xf32>
      %add3A_902 = arith.addf %add3A_892, %mul3A_901 : vector<16xf32>
      %add3A_903 = arith.constant 7680 : i32
      %add3A_904 = arith.addi %add3A_903, %mul3A_751 : i32
      %get3A_905 = arith.index_cast %add3A_904 : i32 to index
      %get3A_906 = tpu.vector_load %arg9[%get3A_905] {strides = array<i32>} : memref<13312xf32, #tpu.memory_space<vmem>>, vector<16xf32>,
      %add3A_907 = arith.constant 7680 : i32
      %add3A_908 = arith.addi %add3A_907, %mul3A_751 : i32
      %get3A_909 = arith.index_cast %add3A_908 : i32 to index
      %get3A_910 = tpu.vector_load %arg8[%get3A_909] {strides = array<i32>} : memref<13312xf32, #tpu.memory_space<vmem>>, vector<16xf32>,
      %mul3A_911 = arith.mulf %get3A_906, %get3A_910 : vector<16xf32>
      %add3A_912 = arith.addf %add3A_902, %mul3A_911 : vector<16xf32>
      %add3A_913 = arith.constant 8192 : i32
      %add3A_914 = arith.addi %add3A_913, %mul3A_751 : i32
      %get3A_915 = arith.index_cast %add3A_914 : i32 to index
      %get3A_916 = tpu.vector_load %arg9[%get3A_915] {strides = array<i32>} : memref<13312xf32, #tpu.memory_space<vmem>>, vector<16xf32>,
      %add3A_917 = arith.constant 8192 : i32
      %add3A_918 = arith.addi %add3A_917, %mul3A_751 : i32
      %get3A_919 = arith.index_cast %add3A_918 : i32 to index
      %get3A_920 = tpu.vector_load %arg8[%get3A_919] {strides = array<i32>} : memref<13312xf32, #tpu.memory_space<vmem>>, vector<16xf32>,
      %mul3A_921 = arith.mulf %get3A_916, %get3A_920 : vector<16xf32>
      %add3A_922 = arith.addf %add3A_912, %mul3A_921 : vector<16xf32>
      %add3A_923 = arith.constant 8704 : i32
      %add3A_924 = arith.addi %add3A_923, %mul3A_751 : i32
      %get3A_925 = arith.index_cast %add3A_924 : i32 to index
      %get3A_926 = tpu.vector_load %arg9[%get3A_925] {strides = array<i32>} : memref<13312xf32, #tpu.memory_space<vmem>>, vector<16xf32>,
      %add3A_927 = arith.constant 8704 : i32
      %add3A_928 = arith.addi %add3A_927, %mul3A_751 : i32
      %get3A_929 = arith.index_cast %add3A_928 : i32 to index
      %get3A_930 = tpu.vector_load %arg8[%get3A_929] {strides = array<i32>} : memref<13312xf32, #tpu.memory_space<vmem>>, vector<16xf32>,
      %mul3A_931 = arith.mulf %get3A_926, %get3A_930 : vector<16xf32>
      %add3A_932 = arith.addf %add3A_922, %mul3A_931 : vector<16xf32>
      %add3A_933 = arith.constant 9216 : i32
      %add3A_934 = arith.addi %add3A_933, %mul3A_751 : i32
      %get3A_935 = arith.index_cast %add3A_934 : i32 to index
      %get3A_936 = tpu.vector_load %arg9[%get3A_935] {strides = array<i32>} : memref<13312xf32, #tpu.memory_space<vmem>>, vector<16xf32>,
      %add3A_937 = arith.constant 9216 : i32
      %add3A_938 = arith.addi %add3A_937, %mul3A_751 : i32
      %get3A_939 = arith.index_cast %add3A_938 : i32 to index
      %get3A_940 = tpu.vector_load %arg8[%get3A_939] {strides = array<i32>} : memref<13312xf32, #tpu.memory_space<vmem>>, vector<16xf32>,
      %mul3A_941 = arith.mulf %get3A_936, %get3A_940 : vector<16xf32>
      %add3A_942 = arith.addf %add3A_932, %mul3A_941 : vector<16xf32>
      %add3A_943 = arith.constant 9728 : i32
      %add3A_944 = arith.addi %add3A_943, %mul3A_751 : i32
      %get3A_945 = arith.index_cast %add3A_944 : i32 to index
      %get3A_946 = tpu.vector_load %arg9[%get3A_945] {strides = array<i32>} : memref<13312xf32, #tpu.memory_space<vmem>>, vector<16xf32>,
      %add3A_947 = arith.constant 9728 : i32
      %add3A_948 = arith.addi %add3A_947, %mul3A_751 : i32
      %get3A_949 = arith.index_cast %add3A_948 : i32 to index
      %get3A_950 = tpu.vector_load %arg8[%get3A_949] {strides = array<i32>} : memref<13312xf32, #tpu.memory_space<vmem>>, vector<16xf32>,
      %mul3A_951 = arith.mulf %get3A_946, %get3A_950 : vector<16xf32>
      %add3A_952 = arith.addf %add3A_942, %mul3A_951 : vector<16xf32>
      %add3A_953 = arith.constant 10240 : i32
      %add3A_954 = arith.addi %add3A_953, %mul3A_751 : i32
      %get3A_955 = arith.index_cast %add3A_954 : i32 to index
      %get3A_956 = tpu.vector_load %arg9[%get3A_955] {strides = array<i32>} : memref<13312xf32, #tpu.memory_space<vmem>>, vector<16xf32>,
      %add3A_957 = arith.constant 10240 : i32
      %add3A_958 = arith.addi %add3A_957, %mul3A_751 : i32
      %get3A_959 = arith.index_cast %add3A_958 : i32 to index
      %get3A_960 = tpu.vector_load %arg8[%get3A_959] {strides = array<i32>} : memref<13312xf32, #tpu.memory_space<vmem>>, vector<16xf32>,
      %mul3A_961 = arith.mulf %get3A_956, %get3A_960 : vector<16xf32>
      %add3A_962 = arith.addf %add3A_952, %mul3A_961 : vector<16xf32>
      %add3A_963 = arith.constant 10752 : i32
      %add3A_964 = arith.addi %add3A_963, %mul3A_751 : i32
      %get3A_965 = arith.index_cast %add3A_964 : i32 to index
      %get3A_966 = tpu.vector_load %arg9[%get3A_965] {strides = array<i32>} : memref<13312xf32, #tpu.memory_space<vmem>>, vector<16xf32>,
      %add3A_967 = arith.constant 10752 : i32
      %add3A_968 = arith.addi %add3A_967, %mul3A_751 : i32
      %get3A_969 = arith.index_cast %add3A_968 : i32 to index
      %get3A_970 = tpu.vector_load %arg8[%get3A_969] {strides = array<i32>} : memref<13312xf32, #tpu.memory_space<vmem>>, vector<16xf32>,
      %mul3A_971 = arith.mulf %get3A_966, %get3A_970 : vector<16xf32>
      %add3A_972 = arith.addf %add3A_962, %mul3A_971 : vector<16xf32>
      %add3A_973 = arith.constant 11264 : i32
      %add3A_974 = arith.addi %add3A_973, %mul3A_751 : i32
      %get3A_975 = arith.index_cast %add3A_974 : i32 to index
      %get3A_976 = tpu.vector_load %arg9[%get3A_975] {strides = array<i32>} : memref<13312xf32, #tpu.memory_space<vmem>>, vector<16xf32>,
      %add3A_977 = arith.constant 11264 : i32
      %add3A_978 = arith.addi %add3A_977, %mul3A_751 : i32
      %get3A_979 = arith.index_cast %add3A_978 : i32 to index
      %get3A_980 = tpu.vector_load %arg8[%get3A_979] {strides = array<i32>} : memref<13312xf32, #tpu.memory_space<vmem>>, vector<16xf32>,
      %mul3A_981 = arith.mulf %get3A_976, %get3A_980 : vector<16xf32>
      %add3A_982 = arith.addf %add3A_972, %mul3A_981 : vector<16xf32>
      %add3A_983 = arith.constant 11776 : i32
      %add3A_984 = arith.addi %add3A_983, %mul3A_751 : i32
      %get3A_985 = arith.index_cast %add3A_984 : i32 to index
      %get3A_986 = tpu.vector_load %arg9[%get3A_985] {strides = array<i32>} : memref<13312xf32, #tpu.memory_space<vmem>>, vector<16xf32>,
      %add3A_987 = arith.constant 11776 : i32
      %add3A_988 = arith.addi %add3A_987, %mul3A_751 : i32
      %get3A_989 = arith.index_cast %add3A_988 : i32 to index
      %get3A_990 = tpu.vector_load %arg8[%get3A_989] {strides = array<i32>} : memref<13312xf32, #tpu.memory_space<vmem>>, vector<16xf32>,
      %mul3A_991 = arith.mulf %get3A_986, %get3A_990 : vector<16xf32>
      %add3A_992 = arith.addf %add3A_982, %mul3A_991 : vector<16xf32>
      %add3A_993 = arith.constant 12288 : i32
      %add3A_994 = arith.addi %add3A_993, %mul3A_751 : i32
      %get3A_995 = arith.index_cast %add3A_994 : i32 to index
      %get3A_996 = tpu.vector_load %arg9[%get3A_995] {strides = array<i32>} : memref<13312xf32, #tpu.memory_space<vmem>>, vector<16xf32>,
      %add3A_997 = arith.constant 12288 : i32
      %add3A_998 = arith.addi %add3A_997, %mul3A_751 : i32
      %get3A_999 = arith.index_cast %add3A_998 : i32 to index
      %get3A_1000 = tpu.vector_load %arg8[%get3A_999] {strides = array<i32>} : memref<13312xf32, #tpu.memory_space<vmem>>, vector<16xf32>,
      %mul3A_1001 = arith.mulf %get3A_996, %get3A_1000 : vector<16xf32>
      %add3A_1002 = arith.addf %add3A_992, %mul3A_1001 : vector<16xf32>
      %add3A_1003 = arith.constant 12800 : i32
      %add3A_1004 = arith.addi %add3A_1003, %mul3A_751 : i32
      %get3A_1005 = arith.index_cast %add3A_1004 : i32 to index
      %get3A_1006 = tpu.vector_load %arg9[%get3A_1005] {strides = array<i32>} : memref<13312xf32, #tpu.memory_space<vmem>>, vector<16xf32>,
      %add3A_1007 = arith.constant 12800 : i32
      %add3A_1008 = arith.addi %add3A_1007, %mul3A_751 : i32
      %get3A_1009 = arith.index_cast %add3A_1008 : i32 to index
      %get3A_1010 = tpu.vector_load %arg8[%get3A_1009] {strides = array<i32>} : memref<13312xf32, #tpu.memory_space<vmem>>, vector<16xf32>,
      %mul3A_1011 = arith.mulf %get3A_1006, %get3A_1010 : vector<16xf32>
      %add3A_1012 = arith.addf %add3A_1002, %mul3A_1011 : vector<16xf32>
      %add3A_1013 = vector.broadcast %squeeze3A : f32 to vector<16xf32>
      %add3A_1014 = arith.addf %add3A_1012, %add3A_1013 : vector<16xf32>
      %swap3A = arith.index_cast %mul3A_751 : i32 to index
      %swap3A_1015 = tpu.vector_load %arg10[%swap3A] {strides = array<i32>} : memref<512xf32, #tpu.memory_space<vmem>>, vector<16xf32>,
      tpu.vector_store %arg10[%swap3A], %add3A_1014 {strides = array<i32>} : memref<512xf32, #tpu.memory_space<vmem>>, vector<16xf32>,
    }
    %scan3A_748 = arith.constant 32 : i32
    "tpu.region"() ({
      %run_scoped3A = tpu.sem_alloc : memref<!tpu.dma_semaphore, #tpu.memory_space<semaphore_mem>>
      %dma_start3A_749 = tpu.memref_slice %arg6[%mul3A_2] : memref<16384xf32, #tpu.memory_space<hbm>> -> memref<512xf32, #tpu.memory_space<hbm>>
      %dma_start3A_750 = tpu.memref_slice %arg6[%mul3A_2] : memref<16384xf32, #tpu.memory_space<hbm>> -> memref<512xf32, #tpu.memory_space<hbm>>
      tpu.enqueue_dma source(%arg10 : memref<512xf32, #tpu.memory_space<vmem>>) target(%dma_start3A_750 : memref<512xf32, #tpu.memory_space<hbm>>) target_semaphore(%run_scoped3A : memref<!tpu.dma_semaphore, #tpu.memory_space<semaphore_mem>>)
      %dma_wait3A_751 = tpu.memref_slice %arg6[%mul3A_2] : memref<16384xf32, #tpu.memory_space<hbm>> -> memref<512xf32, #tpu.memory_space<hbm>>
      %dma_wait3A_752 = tpu.memref_slice %arg6[%mul3A_2] : memref<16384xf32, #tpu.memory_space<hbm>> -> memref<512xf32, #tpu.memory_space<hbm>>
      tpu.wait_dma2 semaphore(%run_scoped3A : memref<!tpu.dma_semaphore, #tpu.memory_space<semaphore_mem>>) src(%arg10 : memref<512xf32, #tpu.memory_space<vmem>>) dst(%dma_wait3A_752 : memref<512xf32, #tpu.memory_space<hbm>>)
      tpu.yield
    }) : () -> ()
    return
  }
}

</mosaic_0001>

<sc_bundles>
// kernel: kernel.3.cloned.1.call-start
scs
__scs_entry_jumppad:
0x0: {  	(pc) =	sbr.rel $0x88, $3  }
0x1: {  	(tag) =	ssettag $0x0;
	lr =	simm.s32 $0x1  }
0x2: {  	[smem:$0x3F9D] =	sst lr;
	_ =	strace $0xD0000000  }
0x3: {  	_ = 	snop  }
0x4: {  	_ = 	snop  }
0x5: {  	_ = 	snop  }
0x6: {  	_ = 	snop  }
0x7: {  	_ = 	snop  }
__scs_overlays_trampoline_lowered:
0x8: {  	[smem:$0x3FAC] =	sst s0  }
0x9: {  	[smem:$0x3FAD] =	sst s1  }
0xa: {  	[smem:$0x3FAE] =	sst s2  }
0xb: {  	[smem:$0x3FAF] =	sst s3  }
0xc: {  	[smem:$0x3FB0] =	sst s4  }
0xd: {  	[smem:$0x3FB1] =	sst s5  }
0xe: {  	[smem:$0x3FB2] =	sst s6  }
0xf: {  	[smem:$0x3FB3] =	sst s7  }
0x10: {  	[smem:$0x3FB4] =	sst s8  }
0x11: {  	[smem:$0x3FB5] =	sst s9;
	s0 =	simm.s32 @!p0 $0x0  }
0x12: {  	s1 =	sld [smem:$0x3F9B];
	s0 =	simm.s32 @p0 $0x1  }
0x13: {  	[smem:$0x3FB6] =	sst s0;
	s0 =	simm.s32 @!p1 $0x0  }
0x14: {  	s2 =	sld [smem:$0x3F9A];
	s0 =	simm.s32 @p1 $0x1  }
0x15: {  	[smem:$0x3FB7] =	sst s0;
	s0 =	simm.s32 @!p2 $0x0  }
0x16: {  	s3 =	sld [smem:$0x3FDB];
	s0 =	simm.s32 @p2 $0x1  }
0x17: {  	s4 =	simm.s32 $0x1BF5;
	[smem:$0x3FB9] =	sst s0  }
0x18: {  	s0 =	sld [smem:$0x3F9C];
	_ =	swait.ge [sflag:s4], $0x0  }
0x19: {  	s7 =	sld [smem:$0x3F9D]  }
0x1a: {  	s8 =	sadd.s32 $0xFFFFE003, lr  }
0x1b: {  	s9 =	sadd.s32 $0xFFFFFEF7, lr;
	s5 =	simm.s32 $0xFFFFFFFF;
	p2 =	slt.u32 s8, $0xFFFFF086  }
0x1c: {  	p1 =	slt.u32 s9, $0xF7A;
	s5 =	simm.s32 @!p2 $0x0  }
0x1d: {  	s5 =	simm.s32 @p1 $0x1;
	p0 =	seq.s32 s7, s2  }
0x1e: {  	s7 =	smul.u32 @!p0 $0xF7A, s2;
	p2 =	seq.s32 @!p0 s5, $0x0  }
0x1f: {  	s9 =	smul.u32 $0xF7A, s1;
	s8 =	simm.s32 @!p0 $0x1BF5;
	p2 =	por !p2, p0  }
0x20: {  	[sflag:s8] =	ssyncset.s32 @!p0 $0xFFFFF086;
	s6 =	sadd.s32 @!p0 s3, s7;
	s7 =	simm.s32 @!p0 $0x108  }
0x21: {  	s3 =	sadd.s32 s3, s9;
	s6 =	sadd.s32 @!p0 $0x88, s6;
	s7 =	simm.s32 @p2 $0x1082  }
0x22: {  	[simem:s7], [sflag:s8] =	dma.local @!p0 [hbm:s6], $0xF7A  }
0x23: {  	s9 =	sor.u32 $0xD0000000, s2;
	s6 =	simm.s32 $0x108;
	_ =	swait.ge @!p0 [sflag:s8], $0x0  }
0x24: {  	s3 =	sadd.s32 $0x88, s3;
	s6 =	simm.s32 @!p1 $0x1082;
	[sflag:s4] =	ssyncset.s32 $0xFFFFF086  }
0x25: {  	[simem:s6], [sflag:s4] =	dma.local [hbm:s3], $0xF7A  }
0x26: {  	[smem:$0x3F9D] =	sst s1;
	(tag) =	ssettag s2;
	_ =	strace s9  }
0x27: {  	s1 =	sld [smem:$0x3FAD]  }
0x28: {  	s2 =	sld [smem:$0x3FAE]  }
0x29: {  	s4 =	sld [smem:$0x3FB0]  }
0x2a: {  	p0 =	seq.s32 s5, $0x0;
	s5 =	sld [smem:$0x3FB1]  }
0x2b: {  	s6 =	sld [smem:$0x3FB2]  }
0x2c: {  	s7 =	sld [smem:$0x3FB3]  }
0x2d: {  	s3 =	simm.s32 $0x108;
	s8 =	sld [smem:$0x3FB4]  }
0x2e: {  	s3 =	simm.s32 @!p0 $0x1082;
	s9 =	sld [smem:$0x3FB5]  }
0x2f: {  	lr =	sadd.s32 s0, s3;
	s0 =	sld [smem:$0x3FAC]  }
0x30: {  	s3 =	sld [smem:$0x3FAF]  }
0x31: {  	[smem:$0x3FB8] =	sst s10  }
0x32: {  	s10 =	sld [smem:$0x3FB6];
	_ =	sdelay $0x3  }
0x33: {  	p0 =	seq.s32 s10, $0x1;
	s10 =	sld [smem:$0x3FB8];
	_ =	sdelay $0x3  }
0x34: {  	[smem:$0x3FB8] =	sst s10  }
0x35: {  	s10 =	sld [smem:$0x3FB7];
	_ =	sdelay $0x3  }
0x36: {  	p1 =	seq.s32 s10, $0x1;
	s10 =	sld [smem:$0x3FB8];
	_ =	sdelay $0x3  }
0x37: {  	[smem:$0x3FB8] =	sst s10  }
0x38: {  	s10 =	sld [smem:$0x3FB9]  }
0x39: {  	_ = 	snop;
	(pc) =	sbr.ind lr, $3  }
0x3a: {  	_ = 	snop  }
0x3b: {  	_ = 	snop  }
0x3c: {  	p2 =	seq.s32 s10, $0x1;
	s10 =	sld [smem:$0x3FB8]  }
0x3d: {  	_ =	shalt  }
0x3e: {  	_ =	shalt  }
0x3f: {  	_ =	shalt  }
0x40: {  	_ =	shalt  }
0x41: {  	_ =	shalt  }
0x42: {  	_ =	shalt  }
0x43: {  	_ =	shalt  }
0x44: {  	_ =	shalt  }
0x45: {  	_ =	shalt  }
0x46: {  	_ =	shalt  }
0x47: {  	_ =	shalt  }
0x48: {  	_ =	shalt  }
0x49: {  	_ =	shalt  }
0x4a: {  	_ =	shalt  }
0x4b: {  	_ =	shalt  }
0x4c: {  	_ =	shalt  }
0x4d: {  	_ =	shalt  }
0x4e: {  	_ =	shalt  }
0x4f: {  	_ =	shalt  }
0x50: {  	_ =	shalt  }
0x51: {  	_ =	shalt  }
0x52: {  	_ =	shalt  }
0x53: {  	_ =	shalt  }
0x54: {  	_ =	shalt  }
0x55: {  	_ =	shalt  }
0x56: {  	_ =	shalt  }
0x57: {  	_ =	shalt  }
0x58: {  	_ =	shalt  }
0x59: {  	_ =	shalt  }
0x5a: {  	_ =	shalt  }
0x5b: {  	_ =	shalt  }
0x5c: {  	_ =	shalt  }
0x5d: {  	_ =	shalt  }
0x5e: {  	_ =	shalt  }
0x5f: {  	_ =	shalt  }
0x60: {  	_ =	shalt  }
0x61: {  	_ =	shalt  }
0x62: {  	_ =	shalt  }
0x63: {  	_ =	shalt  }
0x64: {  	_ =	shalt  }
0x65: {  	_ =	shalt  }
0x66: {  	_ =	shalt  }
0x67: {  	_ =	shalt  }
0x68: {  	_ =	shalt  }
0x69: {  	_ =	shalt  }
0x6a: {  	_ =	shalt  }
0x6b: {  	_ =	shalt  }
0x6c: {  	_ =	shalt  }
0x6d: {  	_ =	shalt  }
0x6e: {  	_ =	shalt  }
0x6f: {  	_ =	shalt  }
0x70: {  	_ =	shalt  }
0x71: {  	_ =	shalt  }
0x72: {  	_ =	shalt  }
0x73: {  	_ =	shalt  }
0x74: {  	_ =	shalt  }
0x75: {  	_ =	shalt  }
0x76: {  	_ =	shalt  }
0x77: {  	_ =	shalt  }
0x78: {  	_ =	shalt  }
0x79: {  	_ =	shalt  }
0x7a: {  	_ =	shalt  }
0x7b: {  	_ =	shalt  }
0x7c: {  	_ =	shalt  }
0x7d: {  	_ =	shalt  }
0x7e: {  	_ =	shalt  }
0x7f: {  	_ =	shalt  }
0x80: {  	_ =	shalt  }
0x81: {  	_ =	shalt  }
0x82: {  	_ =	shalt  }
0x83: {  	_ =	shalt  }
0x84: {  	_ =	shalt  }
0x85: {  	_ =	shalt  }
0x86: {  	_ =	shalt  }
0x87: {  	_ =	shalt  }
.Lfunc_end0:
.L_simem_size_0:
called_computation_lowered:
.L_overlay_start_0:
0x88: {  	s2 =	sld [smem:$0x3FD9]  }
0x89: {  	s3 =	sld [smem:$0x3FFE];
	_ =	sdelay $0x1  }
0x8a: {  	s1 =	srdreg.scid  }
0x8b: {  	s0 =	sand.u32 $0x1, s1  }
0x8c: {  	s17 =	sshll.u32 s0, $0xA;
	s2 =	sadd.s32 s3, s2  }
0x8d: {  	s2 =	sadd.s32 s2, s17  }
0x8e: {  	[smem:$0x3FC4] =	sst s2  }
0x8f: {  	_ = 	snop  }
0x90: {  	s2 =	sld [smem:$0x3FC6]  }
0x91: {  	s18 =	sld [smem:$0x3FD0];
	(tm) =	ssettm $0x1  }
0x92: {  	s4 =	sld [smem:$0x3FFB];
	_ =	sdelay $0x3  }
0x93: {  	_ =	strace s4  }
0x94: {  	s4 =	sld [smem:$0x3FFC];
	_ =	sdelay $0x3  }
0x95: {  	_ =	strace s4  }
0x96: {  	s4 =	sld [smem:$0x3FFD];
	_ =	sdelay $0x3  }
0x97: {  	_ =	strace s4  }
0x98: {  	_ =	strace $0x8FFFFFFF  }
0x99: {  	s19 =	sld [smem:$0x3FDB];
	_ =	sdelay $0x1  }
0x9a: {  	s5 =	simm.s32 $_scs_section_size  }
0x9b: {  	s6 =	simm.s32 $_size__tile_overlayer_lowered;
	s7 =	simm.s32 $_tile_overlayer_lowered  }
0x9c: {  	s22 =	simm.s32 $0x1BFF;
	s21 =	sshll.u32 s7, $0x1;
	s4 =	sadd.s32 s5, s19  }
0x9d: {  	s8 =	simm.s32 $0x0;
	s20 =	sshll.u32 s6, $0x1;
	s6 =	sadd.s32 s21, s4  }
0x9e: {  	[timem:s8], [sflag:s22] =	dma.local [hbm:s6], s20  }
0x9f: {  	_ =	swait.ge [sflag:s22], s20  }
0xa0: {  	s5 =	ssub.s32 $0x0, s20;
	[sflag:s22] =	ssyncset.done $0x0  }
0xa1: {  	[sflag:s22] =	ssyncadd.s32 s5;
	_ =	sdelay $0x1  }
0xa2: {  	s23 =	simm.s32 $0x1B8B  }
0xa3: {  	_ =	swait.ge [sflag:s23], $0x1  }
0xa4: {  	[sflag:s23] =	ssyncset.done $0x0  }
0xa5: {  	s25 =	simm.s32 $0x1B8E;
	s24 =	sld [smem:$0x3FFE];
	[sflag:s23] =	ssyncadd.s32 $0xFFFFFFFF  }
0xa6: {  	s26 =	simm.s32 $execute0_lowered;
	[smem:$0x3FD2] =	sst s25  }
0xa7: {  	s6 =	sshll.u32 s26, $0x1;
	_ =	strace $0x80000046;
	[dreg:$0x1] =	wrdreg $0xFFFFFFFF  }
0xa8: {  	s28 =	simm.s32 $_size_execute0_lowered;
	s4 =	sadd.s32 s4, s6;
	[dreg:$0x0] =	wrdreg $0x0  }
0xa9: {  	s6 =	sshll.u32 s28, $0x1;
	[dreg:$0x2] =	wrdreg s4  }
0xaa: {  	[dreg:$0x3] =	wrdreg s6  }
0xab: {  	[dreg:$0x4] =	wrdreg $0xC0  }
0xac: {  	_ =	task [dreg:s8], $0x5FFFF  }
0xad: {  	[dreg:$0x1] =	wrdreg $0xFFFFFFFF  }
0xae: {  	[dreg:$0x0] =	wrdreg $0x60  }
0xaf: {  	[dreg:$0x2] =	wrdreg s24  }
0xb0: {  	[dreg:$0x3] =	wrdreg s2  }
0xb1: {  	[dreg:$0x4] =	wrdreg s18  }
0xb2: {  	[dreg:$0x5] =	wrdreg $0x9E100  }
0xb3: {  	[dreg:$0x6] =	wrdreg $0x9  }
0xb4: {  	_ =	task.clear_ibuf [dreg:s8], $0x7FFFF;
	_ =	strace $0x90000046  }
0xb5: {  	s29 =	simm.s32 $0x9;
	_ =	strace $0x80000048  }
0xb6: {  	_ =	swait.ge [sflag:s29], $0x1  }
0xb7: {  	[sflag:s29] =	ssyncadd.s32 $0xFFFFFFFF  }
0xb8: {  	_ =	strace $0x90000048  }
0xb9: {  	_ =	sfence  }
0xba: {  	s30 =	sld [smem:$0x0];
	_ =	sdelay $0x2  }
0xbb: {  	s31 =	sshll.u32 s1, $0xD;
	s1 =	sshrl.u32 s1, $0x2  }
0xbc: {  	s3 =	sand.u32 $0x4000, s31;
	s1 =	sadd.s32 s1, s30  }
0xbd: {  	s0 =	sor.u32 s3, s0;
	s1 =	sshll.u32 s1, $0x11  }
0xbe: {  	s0 =	sor.u32 s1, s0  }
0xbf: {  	s0 =	sadd.s32 $0x8F2B, s0  }
0xc0: {  	[sflag:s0] =	ssyncadd.remote.s32 $0x1  }
0xc1: {  	_ =	sfence.sel $0xFFFF  }
0xc2: {  	[dreg:$0x0] =	wrdreg $0xFFFFFFFF;
	(pc) =	sbr.abs _section_cstart, $3  }
0xc3: {  	[dreg:$0x1] =	wrdreg $0xFFFFFFFF  }
0xc4: {  	_ =	task.clear_ibuf [dreg:s8], $0x2FFFF;
	_ =	strace $0x9FFFFFFF  }
0xc5: {  	(tm) =	ssettm $0x7FFFFFFF  }
tec
execute0_lowered:
.L_overlay_start_1:
0x0: {  	(tag) =	ssettag $0x1  }
0x1: {  	s4 =	rddreg [dreg:$0x0]  }
0x2: {  	s1 =	simm.s32 $0x0;
	s0 =	srdreg.scid;
	s26 =	stileid.u32  }
0x3: {  	s28 =	rddreg [dreg:$0x3];
	s29 =	simm.s32 $0x3400;
	s30 =	simm.s32 $0x3  }
0x4: {  	s31 =	simm.s32 $0x1;
	[smem:$0x7FF] =	sst s1;
	s5 =	sand.u32 $0x1, s0  }
0x5: {  	s2 =	sadd.s32 $0x400, s4;
	s6 =	sshll.u32 s26, $0x7;
	s7 =	sshll.u32 s5, $0x6  }
0x6: {  	s0 =	smul.u32 $0x1E848, s26;
	s8 =	ssub.s32 $0x2, s5;
	s5 =	sor.u32 s7, s6  }
0x7: {  	s3 =	sadd.s32 $0xD400, s4;
	p0 =	sgt.u32 s26, $0x7;
	s9 =	sor.u32 $0x800, s5  }
0x8: {  	s13 =	sshrl.u32 s0, $0x3;
	s14 =	sshrl.u32 s8, $0x1;
	s15 =	sadd.s32 s2, s9  }
0x9: {  	s17 =	sor.u32 $0x1000, s5;
	s16 =	sadd.s32 s3, s9;
	[dreg:$0x5] =	wrdreg s15  }
0xa: {  	s0 =	sadd.s32 s0, s28;
	s19 =	sadd.s32 s2, s17;
	[dreg:$0x6] =	wrdreg s16  }
0xb: {  	s18 =	sor.u32 $0x1800, s5;
	s6 =	sadd.s32 s3, s17;
	[dreg:$0x7] =	wrdreg s19  }
0xc: {  	s25 =	sadd.s32 s13, s4;
	s20 =	sadd.s32 s2, s18;
	[dreg:$0x8] =	wrdreg s6  }
0xd: {  	s22 =	sor.u32 $0x2000, s5;
	s21 =	sadd.s32 s3, s18;
	[dreg:$0x9] =	wrdreg s20  }
0xe: {  	s23 =	sor.u32 $0x2800, s5;
	s24 =	sadd.s32 s2, s22;
	[dreg:$0xa] =	wrdreg s21  }
0xf: {  	s4 =	ssub.s32 s8, s14;
	s8 =	sadd.s32 s2, s23;
	[dreg:$0xb] =	wrdreg s24  }
0x10: {  	s10 =	sor.u32 $0x3000, s5;
	s9 =	sadd.s32 s3, s23;
	[dreg:$0xd] =	wrdreg s8  }
0x11: {  	s11 =	sor.u32 $0x3800, s5;
	s12 =	sadd.s32 s2, s10;
	[dreg:$0xe] =	wrdreg s9  }
0x12: {  	s7 =	sor.u32 $0x6000, s5;
	s13 =	sadd.s32 s2, s11;
	[dreg:$0xf] =	wrdreg s12  }
0x13: {  	s28 =	sshrl.u32 @!p0 s0, $0x3;
	s14 =	sadd.s32 s3, s11;
	[dreg:$0x11] =	wrdreg s13  }
0x14: {  	s0 =	simm.s32 $0x2;
	s6 =	sadd.s32 s3, s22;
	[dreg:$0x12] =	wrdreg s14  }
0x15: {  	s15 =	sor.u32 $0x4000, s5;
	[dreg:$0xc] =	wrdreg s6;
	s6 =	sadd.s32 s3, s10  }
0x16: {  	s16 =	sor.u32 $0x4800, s5;
	s17 =	sadd.s32 s2, s15;
	[dreg:$0x10] =	wrdreg s6  }
0x17: {  	s25 =	sadd.s32 $0x1A400, s25;
	s18 =	sadd.s32 s2, s16;
	[dreg:$0x13] =	wrdreg s17  }
0x18: {  	s20 =	sor.u32 $0x5000, s5;
	s19 =	sadd.s32 s3, s16;
	[dreg:$0x15] =	wrdreg s18  }
0x19: {  	s21 =	sor.u32 $0x5800, s5;
	s22 =	sadd.s32 s2, s20;
	[dreg:$0x16] =	wrdreg s19  }
0x1a: {  	s26 =	smax.u32 s4, $0x1;
	s23 =	sadd.s32 s2, s21;
	[dreg:$0x17] =	wrdreg s22  }
0x1b: {  	s9 =	sor.u32 $0x6800, s5;
	s24 =	sadd.s32 s3, s21;
	[dreg:$0x19] =	wrdreg s23  }
0x1c: {  	s13 =	sor.u32 $0x7000, s5;
	s10 =	sadd.s32 s2, s7;
	[dreg:$0x1a] =	wrdreg s24  }
0x1d: {  	s14 =	sor.u32 $0x7800, s5;
	s11 =	sadd.s32 s2, s9;
	[dreg:$0x1b] =	wrdreg s10  }
0x1e: {  	s12 =	sadd.s32 s3, s9;
	s16 =	sadd.s32 s2, s14;
	[dreg:$0x1d] =	wrdreg s11  }
0x1f: {  	s6 =	sadd.s32 s3, s15;
	[dreg:$0x1e] =	wrdreg s12;
	s15 =	sadd.s32 s2, s13  }
0x20: {  	[smem:$0x7F8] =	sst s16;
	s17 =	sadd.s32 s3, s14;
	s18 =	sor.u32 $0x8000, s5  }
0x21: {  	s19 =	sor.u32 $0x8800, s5;
	s23 =	sor.u32 $0x9000, s5;
	[dreg:$0x14] =	wrdreg s6  }
0x22: {  	s24 =	sor.u32 $0x9800, s5;
	s11 =	sor.u32 $0xA000, s5;
	[dreg:$0x1f] =	wrdreg s15  }
0x23: {  	s6 =	sadd.s32 s3, s20;
	[smem:$0x7F9] =	sst s17;
	s20 =	sadd.s32 s2, s18  }
0x24: {  	s8 =	sadd.s32 s2, s24;
	s9 =	sadd.s32 s3, s24;
	s24 =	rddreg [dreg:$0x2]  }
0x25: {  	s21 =	sadd.s32 s2, s19;
	s22 =	sadd.s32 s3, s19;
	[dreg:$0x18] =	wrdreg s6  }
0x26: {  	s10 =	sadd.s32 s2, s11;
	s11 =	sadd.s32 s3, s11;
	[smem:$0x7FA] =	sst s20  }
0x27: {  	s15 =	sor.u32 $0xB000, s5;
	s17 =	sor.u32 $0xB800, s5;
	[smem:$0x7FC] =	sst s21  }
0x28: {  	s19 =	sor.u32 $0xC000, s5;
	s6 =	sadd.s32 s3, s7;
	[smem:$0x7FD] =	sst s22  }
0x29: {  	s7 =	sadd.s32 s3, s23;
	s14 =	sadd.s32 s2, s15;
	s15 =	sadd.s32 s3, s15  }
0x2a: {  	s16 =	sadd.s32 s2, s17;
	s17 =	sadd.s32 s3, s17;
	s20 =	sadd.s32 s2, s5  }
0x2b: {  	s22 =	sor.u32 $0xC800, s5;
	s24 =	sadd.s32 s24, s5;
	[dreg:$0x1c] =	wrdreg s6  }
0x2c: {  	s6 =	sadd.s32 s3, s13;
	s13 =	sor.u32 $0xA800, s5;
	s21 =	sadd.s32 s2, s22  }
0x2d: {  	s22 =	sadd.s32 s3, s22;
	[smem:$0x7F7] =	sst s6;
	s6 =	sadd.s32 s3, s18  }
0x2e: {  	s12 =	sadd.s32 s2, s13;
	s13 =	sadd.s32 s3, s13;
	s18 =	sadd.s32 s2, s19  }
0x2f: {  	s19 =	sadd.s32 s3, s19;
	[smem:$0x7FB] =	sst s6;
	s6 =	sadd.s32 s2, s23  }
0x30: {  	s23 =	sadd.s32 s3, s5;
	s2 =	simm.s32 $0x0;
	_ =	strace $0x80000047  }
.LBB2_1:
0x31: {  	s3 =	stileid.u32  }
0x32: {  	s3 =	sshll.u32 @!p0 s3, $0x6  }
0x33: {  	s3 =	sor.u32 @!p0 $0x1C03, s3  }
0x34: {  	[spmem:s28], [sflag:s3] =	dma.local @!p0 [hbm:s25], $0x3D09  }
0x35: {  	s3 =	simm.s32 @!p0 $0x3  }
0x36: {  	_ =	swait.ge @!p0 [sflag:s3], $0x3D09  }
0x37: {  	[sflag:s3] =	ssyncset.done @!p0 $0x0  }
0x38: {  	[sflag:s3] =	ssyncadd.s32 @!p0 $0xFFFFC2F7  }
0x39: {  	[tilespmem:s1], [sflag:$0x1] =	stream.linear.gather [hbm4b:s20+s1], $0x200, $0x38;
	[tilespmem:$0x19238] =	vst v63  }
0x3a: {  	_ = 	snop  }
0x3b: {  	[tilespmem:s29], [sflag:$0x2] =	stream.linear.gather [hbm4b:s23+s1], $0x200, $0x38;
	[tilespmem:$0x19238] =	vst v63  }
0x3c: {  	s4 =	simm.s32 $0x200;
	s5 =	rddreg [dreg:$0x5]  }
0x3d: {  	[tilespmem:s4], [sflag:$0x1] =	stream.linear.gather [hbm4b:s5+s1], $0x200, $0x38;
	[tilespmem:$0x19238] =	vst v63  }
0x3e: {  	s4 =	rddreg [dreg:$0x6];
	s5 =	simm.s32 $0x3600  }
0x3f: {  	[tilespmem:s5], [sflag:$0x2] =	stream.linear.gather [hbm4b:s4+s1], $0x200, $0x38;
	[tilespmem:$0x19238] =	vst v63  }
0x40: {  	s4 =	rddreg [dreg:$0x7];
	s5 =	simm.s32 $0x400  }
0x41: {  	[tilespmem:s5], [sflag:$0x1] =	stream.linear.gather [hbm4b:s4+s1], $0x200, $0x38;
	[tilespmem:$0x19238] =	vst v63  }
0x42: {  	s4 =	rddreg [dreg:$0x8];
	s5 =	simm.s32 $0x3800  }
0x43: {  	[tilespmem:s5], [sflag:$0x2] =	stream.linear.gather [hbm4b:s4+s1], $0x200, $0x38;
	[tilespmem:$0x19238] =	vst v63  }
0x44: {  	s4 =	rddreg [dreg:$0x9];
	s5 =	simm.s32 $0x600  }
0x45: {  	[tilespmem:s5], [sflag:$0x1] =	stream.linear.gather [hbm4b:s4+s1], $0x200, $0x38;
	[tilespmem:$0x19238] =	vst v63  }
0x46: {  	s4 =	rddreg [dreg:$0xa];
	s5 =	simm.s32 $0x3A00  }
0x47: {  	[tilespmem:s5], [sflag:$0x2] =	stream.linear.gather [hbm4b:s4+s1], $0x200, $0x38;
	[tilespmem:$0x19238] =	vst v63  }
0x48: {  	s4 =	rddreg [dreg:$0xb];
	s5 =	simm.s32 $0x800  }
0x49: {  	[tilespmem:s5], [sflag:$0x1] =	stream.linear.gather [hbm4b:s4+s1], $0x200, $0x38;
	[tilespmem:$0x19238] =	vst v63  }
0x4a: {  	s4 =	rddreg [dreg:$0xc];
	s5 =	simm.s32 $0x3C00  }
0x4b: {  	[tilespmem:s5], [sflag:$0x2] =	stream.linear.gather [hbm4b:s4+s1], $0x200, $0x38;
	[tilespmem:$0x19238] =	vst v63  }
0x4c: {  	s4 =	rddreg [dreg:$0xd];
	s5 =	simm.s32 $0xA00  }
0x4d: {  	[tilespmem:s5], [sflag:$0x1] =	stream.linear.gather [hbm4b:s4+s1], $0x200, $0x38;
	[tilespmem:$0x19238] =	vst v63  }
0x4e: {  	s4 =	rddreg [dreg:$0xe];
	s5 =	simm.s32 $0x3E00  }
0x4f: {  	[tilespmem:s5], [sflag:$0x2] =	stream.linear.gather [hbm4b:s4+s1], $0x200, $0x38;
	[tilespmem:$0x19238] =	vst v63  }
0x50: {  	s4 =	rddreg [dreg:$0xf];
	s5 =	simm.s32 $0xC00  }
0x51: {  	[tilespmem:s5], [sflag:$0x1] =	stream.linear.gather [hbm4b:s4+s1], $0x200, $0x38;
	[tilespmem:$0x19238] =	vst v63  }
0x52: {  	s4 =	rddreg [dreg:$0x10];
	s5 =	simm.s32 $0x4000  }
0x53: {  	[tilespmem:s5], [sflag:$0x2] =	stream.linear.gather [hbm4b:s4+s1], $0x200, $0x38;
	[tilespmem:$0x19238] =	vst v63  }
0x54: {  	s4 =	rddreg [dreg:$0x11];
	s5 =	simm.s32 $0xE00  }
0x55: {  	[tilespmem:s5], [sflag:$0x1] =	stream.linear.gather [hbm4b:s4+s1], $0x200, $0x38;
	[tilespmem:$0x19238] =	vst v63  }
0x56: {  	s4 =	rddreg [dreg:$0x12];
	s5 =	simm.s32 $0x4200  }
0x57: {  	[tilespmem:s5], [sflag:$0x2] =	stream.linear.gather [hbm4b:s4+s1], $0x200, $0x38;
	[tilespmem:$0x19238] =	vst v63  }
0x58: {  	s4 =	rddreg [dreg:$0x13];
	s5 =	simm.s32 $0x1000  }
0x59: {  	[tilespmem:s5], [sflag:$0x1] =	stream.linear.gather [hbm4b:s4+s1], $0x200, $0x38;
	[tilespmem:$0x19238] =	vst v63  }
0x5a: {  	s4 =	rddreg [dreg:$0x14];
	s5 =	simm.s32 $0x4400  }
0x5b: {  	[tilespmem:s5], [sflag:$0x2] =	stream.linear.gather [hbm4b:s4+s1], $0x200, $0x38;
	[tilespmem:$0x19238] =	vst v63  }
0x5c: {  	s4 =	rddreg [dreg:$0x15];
	s5 =	simm.s32 $0x1200  }
0x5d: {  	[tilespmem:s5], [sflag:$0x1] =	stream.linear.gather [hbm4b:s4+s1], $0x200, $0x38;
	[tilespmem:$0x19238] =	vst v63  }
0x5e: {  	s4 =	rddreg [dreg:$0x16];
	s5 =	simm.s32 $0x4600  }
0x5f: {  	[tilespmem:s5], [sflag:$0x2] =	stream.linear.gather [hbm4b:s4+s1], $0x200, $0x38;
	[tilespmem:$0x19238] =	vst v63  }
0x60: {  	s4 =	rddreg [dreg:$0x17];
	s5 =	simm.s32 $0x1400  }
0x61: {  	[tilespmem:s5], [sflag:$0x1] =	stream.linear.gather [hbm4b:s4+s1], $0x200, $0x38;
	[tilespmem:$0x19238] =	vst v63  }
0x62: {  	s4 =	rddreg [dreg:$0x18];
	s5 =	simm.s32 $0x4800  }
0x63: {  	[tilespmem:s5], [sflag:$0x2] =	stream.linear.gather [hbm4b:s4+s1], $0x200, $0x38;
	[tilespmem:$0x19238] =	vst v63  }
0x64: {  	s4 =	rddreg [dreg:$0x19];
	s5 =	simm.s32 $0x1600  }
0x65: {  	[tilespmem:s5], [sflag:$0x1] =	stream.linear.gather [hbm4b:s4+s1], $0x200, $0x38;
	[tilespmem:$0x19238] =	vst v63  }
0x66: {  	s4 =	rddreg [dreg:$0x1a];
	s5 =	simm.s32 $0x4A00  }
0x67: {  	[tilespmem:s5], [sflag:$0x2] =	stream.linear.gather [hbm4b:s4+s1], $0x200, $0x38;
	[tilespmem:$0x19238] =	vst v63  }
0x68: {  	s4 =	rddreg [dreg:$0x1b];
	s5 =	simm.s32 $0x1800  }
0x69: {  	[tilespmem:s5], [sflag:$0x1] =	stream.linear.gather [hbm4b:s4+s1], $0x200, $0x38;
	[tilespmem:$0x19238] =	vst v63  }
0x6a: {  	s4 =	rddreg [dreg:$0x1c];
	s5 =	simm.s32 $0x4C00  }
0x6b: {  	[tilespmem:s5], [sflag:$0x2] =	stream.linear.gather [hbm4b:s4+s1], $0x200, $0x38;
	[tilespmem:$0x19238] =	vst v63  }
0x6c: {  	s4 =	rddreg [dreg:$0x1d];
	s5 =	simm.s32 $0x1A00  }
0x6d: {  	[tilespmem:s5], [sflag:$0x1] =	stream.linear.gather [hbm4b:s4+s1], $0x200, $0x38;
	[tilespmem:$0x19238] =	vst v63  }
0x6e: {  	s4 =	rddreg [dreg:$0x1e];
	s5 =	simm.s32 $0x4E00  }
0x6f: {  	[tilespmem:s5], [sflag:$0x2] =	stream.linear.gather [hbm4b:s4+s1], $0x200, $0x38;
	[tilespmem:$0x19238] =	vst v63  }
0x70: {  	s4 =	rddreg [dreg:$0x1f];
	s5 =	simm.s32 $0x1C00  }
0x71: {  	[tilespmem:s5], [sflag:$0x1] =	stream.linear.gather [hbm4b:s4+s1], $0x200, $0x38;
	[tilespmem:$0x19238] =	vst v63  }
0x72: {  	s4 =	sld [smem:$0x7F7];
	_ =	sdelay $0x1  }
0x73: {  	s5 =	simm.s32 $0x5000  }
0x74: {  	[tilespmem:s5], [sflag:$0x2] =	stream.linear.gather [hbm4b:s4+s1], $0x200, $0x38;
	[tilespmem:$0x19238] =	vst v63  }
0x75: {  	s4 =	sld [smem:$0x7F8];
	_ =	sdelay $0x1  }
0x76: {  	s5 =	simm.s32 $0x1E00  }
0x77: {  	[tilespmem:s5], [sflag:$0x1] =	stream.linear.gather [hbm4b:s4+s1], $0x200, $0x38;
	[tilespmem:$0x19238] =	vst v63  }
0x78: {  	s4 =	sld [smem:$0x7F9];
	_ =	sdelay $0x1  }
0x79: {  	s5 =	simm.s32 $0x5200  }
0x7a: {  	[tilespmem:s5], [sflag:$0x2] =	stream.linear.gather [hbm4b:s4+s1], $0x200, $0x38;
	[tilespmem:$0x19238] =	vst v63  }
0x7b: {  	s4 =	sld [smem:$0x7FA];
	_ =	sdelay $0x1  }
0x7c: {  	s5 =	simm.s32 $0x2000  }
0x7d: {  	[tilespmem:s5], [sflag:$0x1] =	stream.linear.gather [hbm4b:s4+s1], $0x200, $0x38;
	[tilespmem:$0x19238] =	vst v63  }
0x7e: {  	s4 =	sld [smem:$0x7FB];
	_ =	sdelay $0x1  }
0x7f: {  	s5 =	simm.s32 $0x5400  }
0x80: {  	[tilespmem:s5], [sflag:$0x2] =	stream.linear.gather [hbm4b:s4+s1], $0x200, $0x38;
	[tilespmem:$0x19238] =	vst v63  }
0x81: {  	s4 =	sld [smem:$0x7FC];
	_ =	sdelay $0x1  }
0x82: {  	s5 =	simm.s32 $0x2200  }
0x83: {  	[tilespmem:s5], [sflag:$0x1] =	stream.linear.gather [hbm4b:s4+s1], $0x200, $0x38;
	[tilespmem:$0x19238] =	vst v63  }
0x84: {  	s4 =	sld [smem:$0x7FD];
	_ =	sdelay $0x1  }
0x85: {  	s5 =	simm.s32 $0x5600  }
0x86: {  	[tilespmem:s5], [sflag:$0x2] =	stream.linear.gather [hbm4b:s4+s1], $0x200, $0x38;
	[tilespmem:$0x19238] =	vst v63  }
0x87: {  	s4 =	simm.s32 $0x2400  }
0x88: {  	[tilespmem:s4], [sflag:$0x1] =	stream.linear.gather [hbm4b:s6+s1], $0x200, $0x38;
	[tilespmem:$0x19238] =	vst v63  }
0x89: {  	s5 =	simm.s32 $0x5800  }
0x8a: {  	[tilespmem:s5], [sflag:$0x2] =	stream.linear.gather [hbm4b:s7+s1], $0x200, $0x38;
	[tilespmem:$0x19238] =	vst v63  }
0x8b: {  	s4 =	simm.s32 $0x2600  }
0x8c: {  	[tilespmem:s4], [sflag:$0x1] =	stream.linear.gather [hbm4b:s8+s1], $0x200, $0x38;
	[tilespmem:$0x19238] =	vst v63  }
0x8d: {  	s5 =	simm.s32 $0x5A00  }
0x8e: {  	[tilespmem:s5], [sflag:$0x2] =	stream.linear.gather [hbm4b:s9+s1], $0x200, $0x38;
	[tilespmem:$0x19238] =	vst v63  }
0x8f: {  	s4 =	simm.s32 $0x2800  }
0x90: {  	[tilespmem:s4], [sflag:$0x1] =	stream.linear.gather [hbm4b:s10+s1], $0x200, $0x38;
	[tilespmem:$0x19238] =	vst v63  }
0x91: {  	s5 =	simm.s32 $0x5C00  }
0x92: {  	[tilespmem:s5], [sflag:$0x2] =	stream.linear.gather [hbm4b:s11+s1], $0x200, $0x38;
	[tilespmem:$0x19238] =	vst v63  }
0x93: {  	s4 =	simm.s32 $0x2A00  }
0x94: {  	[tilespmem:s4], [sflag:$0x1] =	stream.linear.gather [hbm4b:s12+s1], $0x200, $0x38;
	[tilespmem:$0x19238] =	vst v63  }
0x95: {  	s5 =	simm.s32 $0x5E00  }
0x96: {  	[tilespmem:s5], [sflag:$0x2] =	stream.linear.gather [hbm4b:s13+s1], $0x200, $0x38;
	[tilespmem:$0x19238] =	vst v63  }
0x97: {  	s4 =	simm.s32 $0x2C00  }
0x98: {  	[tilespmem:s4], [sflag:$0x1] =	stream.linear.gather [hbm4b:s14+s1], $0x200, $0x38;
	[tilespmem:$0x19238] =	vst v63  }
0x99: {  	s5 =	simm.s32 $0x6000  }
0x9a: {  	[tilespmem:s5], [sflag:$0x2] =	stream.linear.gather [hbm4b:s15+s1], $0x200, $0x38;
	[tilespmem:$0x19238] =	vst v63  }
0x9b: {  	s4 =	simm.s32 $0x2E00  }
0x9c: {  	[tilespmem:s4], [sflag:$0x1] =	stream.linear.gather [hbm4b:s16+s1], $0x200, $0x38;
	[tilespmem:$0x19238] =	vst v63  }
0x9d: {  	s5 =	simm.s32 $0x6200  }
0x9e: {  	[tilespmem:s5], [sflag:$0x2] =	stream.linear.gather [hbm4b:s17+s1], $0x200, $0x38;
	[tilespmem:$0x19238] =	vst v63  }
0x9f: {  	s4 =	simm.s32 $0x3000  }
0xa0: {  	[tilespmem:s4], [sflag:$0x1] =	stream.linear.gather [hbm4b:s18+s1], $0x200, $0x38;
	[tilespmem:$0x19238] =	vst v63  }
0xa1: {  	s5 =	simm.s32 $0x6400  }
0xa2: {  	[tilespmem:s5], [sflag:$0x2] =	stream.linear.gather [hbm4b:s19+s1], $0x200, $0x38;
	[tilespmem:$0x19238] =	vst v63  }
0xa3: {  	s4 =	simm.s32 $0x3200  }
0xa4: {  	[tilespmem:s4], [sflag:$0x1] =	stream.linear.gather [hbm4b:s21+s1], $0x200, $0x38;
	[tilespmem:$0x19238] =	vst v63  }
0xa5: {  	s5 =	simm.s32 $0x6600  }
0xa6: {  	[tilespmem:s5], [sflag:$0x2] =	stream.linear.gather [hbm4b:s22+s1], $0x200, $0x38;
	[tilespmem:$0x19238] =	vst v63  }
0xa7: {  	s4 =	rddreg [dreg:$0x1];
	s5 =	simm.s32 $0x9E00  }
0xa8: {  	[tilespmem:s5], [sflag:$0x3] =	stream.linear.gather [hbm4b:s4+s1], $0x1, $0x38;
	[tilespmem:$0x19238] =	vst v63  }
0xa9: {  	_ =	swait.ge [sflag:s30], $0x1  }
0xaa: {  	[sflag:s30] =	ssyncset.done $0x0  }
0xab: {  	[sflag:s30] =	ssyncadd.s32 $0xFFFFFFFF  }
0xac: {  	_ =	swait.ge [sflag:s31], $0x200  }
0xad: {  	[sflag:s31] =	ssyncset.done $0x0  }
0xae: {  	[sflag:s31] =	ssyncadd.s32 $0xFFFFFE00  }
0xaf: {  	_ =	swait.ge [sflag:s0], $0x200  }
0xb0: {  	[sflag:s0] =	ssyncset.done $0x0  }
0xb1: {  	[sflag:s0] =	ssyncadd.s32 $0xFFFFFE00  }
0xb2: {  	_ =	swait.ge [sflag:s31], $0x200  }
0xb3: {  	[sflag:s31] =	ssyncset.done $0x0  }
0xb4: {  	[sflag:s31] =	ssyncadd.s32 $0xFFFFFE00  }
0xb5: {  	_ =	swait.ge [sflag:s0], $0x200  }
0xb6: {  	[sflag:s0] =	ssyncset.done $0x0  }
0xb7: {  	[sflag:s0] =	ssyncadd.s32 $0xFFFFFE00  }
0xb8: {  	_ =	swait.ge [sflag:s31], $0x200  }
0xb9: {  	[sflag:s31] =	ssyncset.done $0x0  }
0xba: {  	[sflag:s31] =	ssyncadd.s32 $0xFFFFFE00  }
0xbb: {  	_ =	swait.ge [sflag:s0], $0x200  }
0xbc: {  	[sflag:s0] =	ssyncset.done $0x0  }
0xbd: {  	[sflag:s0] =	ssyncadd.s32 $0xFFFFFE00  }
0xbe: {  	_ =	swait.ge [sflag:s31], $0x200  }
0xbf: {  	[sflag:s31] =	ssyncset.done $0x0  }
0xc0: {  	[sflag:s31] =	ssyncadd.s32 $0xFFFFFE00  }
0xc1: {  	_ =	swait.ge [sflag:s0], $0x200  }
0xc2: {  	[sflag:s0] =	ssyncset.done $0x0  }
0xc3: {  	[sflag:s0] =	ssyncadd.s32 $0xFFFFFE00  }
0xc4: {  	_ =	swait.ge [sflag:s31], $0x200  }
0xc5: {  	[sflag:s31] =	ssyncset.done $0x0  }
0xc6: {  	[sflag:s31] =	ssyncadd.s32 $0xFFFFFE00  }
0xc7: {  	_ =	swait.ge [sflag:s0], $0x200  }
0xc8: {  	[sflag:s0] =	ssyncset.done $0x0  }
0xc9: {  	[sflag:s0] =	ssyncadd.s32 $0xFFFFFE00  }
0xca: {  	_ =	swait.ge [sflag:s31], $0x200  }
0xcb: {  	[sflag:s31] =	ssyncset.done $0x0  }
0xcc: {  	[sflag:s31] =	ssyncadd.s32 $0xFFFFFE00  }
0xcd: {  	_ =	swait.ge [sflag:s0], $0x200  }
0xce: {  	[sflag:s0] =	ssyncset.done $0x0  }
0xcf: {  	[sflag:s0] =	ssyncadd.s32 $0xFFFFFE00  }
0xd0: {  	_ =	swait.ge [sflag:s31], $0x200  }
0xd1: {  	[sflag:s31] =	ssyncset.done $0x0  }
0xd2: {  	[sflag:s31] =	ssyncadd.s32 $0xFFFFFE00  }
0xd3: {  	_ =	swait.ge [sflag:s0], $0x200  }
0xd4: {  	[sflag:s0] =	ssyncset.done $0x0  }
0xd5: {  	[sflag:s0] =	ssyncadd.s32 $0xFFFFFE00  }
0xd6: {  	_ =	swait.ge [sflag:s31], $0x200  }
0xd7: {  	[sflag:s31] =	ssyncset.done $0x0  }
0xd8: {  	[sflag:s31] =	ssyncadd.s32 $0xFFFFFE00  }
0xd9: {  	_ =	swait.ge [sflag:s0], $0x200  }
0xda: {  	[sflag:s0] =	ssyncset.done $0x0  }
0xdb: {  	[sflag:s0] =	ssyncadd.s32 $0xFFFFFE00  }
0xdc: {  	_ =	swait.ge [sflag:s31], $0x200  }
0xdd: {  	[sflag:s31] =	ssyncset.done $0x0  }
0xde: {  	[sflag:s31] =	ssyncadd.s32 $0xFFFFFE00  }
0xdf: {  	_ =	swait.ge [sflag:s0], $0x200  }
0xe0: {  	[sflag:s0] =	ssyncset.done $0x0  }
0xe1: {  	[sflag:s0] =	ssyncadd.s32 $0xFFFFFE00  }
0xe2: {  	_ =	swait.ge [sflag:s31], $0x200  }
0xe3: {  	[sflag:s31] =	ssyncset.done $0x0  }
0xe4: {  	[sflag:s31] =	ssyncadd.s32 $0xFFFFFE00  }
0xe5: {  	_ =	swait.ge [sflag:s0], $0x200  }
0xe6: {  	[sflag:s0] =	ssyncset.done $0x0  }
0xe7: {  	[sflag:s0] =	ssyncadd.s32 $0xFFFFFE00  }
0xe8: {  	_ =	swait.ge [sflag:s31], $0x200  }
0xe9: {  	[sflag:s31] =	ssyncset.done $0x0  }
0xea: {  	[sflag:s31] =	ssyncadd.s32 $0xFFFFFE00  }
0xeb: {  	_ =	swait.ge [sflag:s0], $0x200  }
0xec: {  	[sflag:s0] =	ssyncset.done $0x0  }
0xed: {  	[sflag:s0] =	ssyncadd.s32 $0xFFFFFE00  }
0xee: {  	_ =	swait.ge [sflag:s31], $0x200  }
0xef: {  	[sflag:s31] =	ssyncset.done $0x0  }
0xf0: {  	[sflag:s31] =	ssyncadd.s32 $0xFFFFFE00  }
0xf1: {  	_ =	swait.ge [sflag:s0], $0x200  }
0xf2: {  	[sflag:s0] =	ssyncset.done $0x0  }
0xf3: {  	[sflag:s0] =	ssyncadd.s32 $0xFFFFFE00  }
0xf4: {  	_ =	swait.ge [sflag:s31], $0x200  }
0xf5: {  	[sflag:s31] =	ssyncset.done $0x0  }
0xf6: {  	[sflag:s31] =	ssyncadd.s32 $0xFFFFFE00  }
0xf7: {  	_ =	swait.ge [sflag:s0], $0x200  }
0xf8: {  	[sflag:s0] =	ssyncset.done $0x0  }
0xf9: {  	[sflag:s0] =	ssyncadd.s32 $0xFFFFFE00  }
0xfa: {  	_ =	swait.ge [sflag:s31], $0x200  }
0xfb: {  	[sflag:s31] =	ssyncset.done $0x0  }
0xfc: {  	[sflag:s31] =	ssyncadd.s32 $0xFFFFFE00  }
0xfd: {  	_ =	swait.ge [sflag:s0], $0x200  }
0xfe: {  	[sflag:s0] =	ssyncset.done $0x0  }
0xff: {  	[sflag:s0] =	ssyncadd.s32 $0xFFFFFE00  }
0x100: {  	_ =	swait.ge [sflag:s31], $0x200  }
0x101: {  	[sflag:s31] =	ssyncset.done $0x0  }
0x102: {  	[sflag:s31] =	ssyncadd.s32 $0xFFFFFE00  }
0x103: {  	_ =	swait.ge [sflag:s0], $0x200  }
0x104: {  	[sflag:s0] =	ssyncset.done $0x0  }
0x105: {  	[sflag:s0] =	ssyncadd.s32 $0xFFFFFE00  }
0x106: {  	_ =	swait.ge [sflag:s31], $0x200  }
0x107: {  	[sflag:s31] =	ssyncset.done $0x0  }
0x108: {  	[sflag:s31] =	ssyncadd.s32 $0xFFFFFE00  }
0x109: {  	_ =	swait.ge [sflag:s0], $0x200  }
0x10a: {  	[sflag:s0] =	ssyncset.done $0x0  }
0x10b: {  	[sflag:s0] =	ssyncadd.s32 $0xFFFFFE00  }
0x10c: {  	_ =	swait.ge [sflag:s31], $0x200  }
0x10d: {  	[sflag:s31] =	ssyncset.done $0x0  }
0x10e: {  	[sflag:s31] =	ssyncadd.s32 $0xFFFFFE00  }
0x10f: {  	_ =	swait.ge [sflag:s0], $0x200  }
0x110: {  	[sflag:s0] =	ssyncset.done $0x0  }
0x111: {  	[sflag:s0] =	ssyncadd.s32 $0xFFFFFE00  }
0x112: {  	_ =	swait.ge [sflag:s31], $0x200  }
0x113: {  	[sflag:s31] =	ssyncset.done $0x0  }
0x114: {  	[sflag:s31] =	ssyncadd.s32 $0xFFFFFE00  }
0x115: {  	_ =	swait.ge [sflag:s0], $0x200  }
0x116: {  	[sflag:s0] =	ssyncset.done $0x0  }
0x117: {  	[sflag:s0] =	ssyncadd.s32 $0xFFFFFE00  }
0x118: {  	_ =	swait.ge [sflag:s31], $0x200  }
0x119: {  	[sflag:s31] =	ssyncset.done $0x0  }
0x11a: {  	[sflag:s31] =	ssyncadd.s32 $0xFFFFFE00  }
0x11b: {  	_ =	swait.ge [sflag:s0], $0x200  }
0x11c: {  	[sflag:s0] =	ssyncset.done $0x0  }
0x11d: {  	[sflag:s0] =	ssyncadd.s32 $0xFFFFFE00  }
0x11e: {  	_ =	swait.ge [sflag:s31], $0x200  }
0x11f: {  	[sflag:s31] =	ssyncset.done $0x0  }
0x120: {  	[sflag:s31] =	ssyncadd.s32 $0xFFFFFE00  }
0x121: {  	_ =	swait.ge [sflag:s0], $0x200  }
0x122: {  	[sflag:s0] =	ssyncset.done $0x0  }
0x123: {  	[sflag:s0] =	ssyncadd.s32 $0xFFFFFE00  }
0x124: {  	_ =	swait.ge [sflag:s31], $0x200  }
0x125: {  	[sflag:s31] =	ssyncset.done $0x0  }
0x126: {  	[sflag:s31] =	ssyncadd.s32 $0xFFFFFE00  }
0x127: {  	_ =	swait.ge [sflag:s0], $0x200  }
0x128: {  	[sflag:s0] =	ssyncset.done $0x0  }
0x129: {  	[sflag:s0] =	ssyncadd.s32 $0xFFFFFE00  }
0x12a: {  	_ =	swait.ge [sflag:s31], $0x200  }
0x12b: {  	[sflag:s31] =	ssyncset.done $0x0  }
0x12c: {  	[sflag:s31] =	ssyncadd.s32 $0xFFFFFE00  }
0x12d: {  	_ =	swait.ge [sflag:s0], $0x200  }
0x12e: {  	[sflag:s0] =	ssyncset.done $0x0  }
0x12f: {  	[sflag:s0] =	ssyncadd.s32 $0xFFFFFE00  }
0x130: {  	_ =	swait.ge [sflag:s31], $0x200  }
0x131: {  	[sflag:s31] =	ssyncset.done $0x0  }
0x132: {  	[sflag:s31] =	ssyncadd.s32 $0xFFFFFE00  }
0x133: {  	_ =	swait.ge [sflag:s0], $0x200  }
0x134: {  	[sflag:s0] =	ssyncset.done $0x0  }
0x135: {  	[sflag:s0] =	ssyncadd.s32 $0xFFFFFE00  }
0x136: {  	_ =	swait.ge [sflag:s31], $0x200  }
0x137: {  	[sflag:s31] =	ssyncset.done $0x0  }
0x138: {  	[sflag:s31] =	ssyncadd.s32 $0xFFFFFE00  }
0x139: {  	_ =	swait.ge [sflag:s0], $0x200  }
0x13a: {  	[sflag:s0] =	ssyncset.done $0x0  }
0x13b: {  	[sflag:s0] =	ssyncadd.s32 $0xFFFFFE00  }
0x13c: {  	_ =	swait.ge [sflag:s31], $0x200  }
0x13d: {  	[sflag:s31] =	ssyncset.done $0x0  }
0x13e: {  	[sflag:s31] =	ssyncadd.s32 $0xFFFFFE00  }
0x13f: {  	_ =	swait.ge [sflag:s0], $0x200  }
0x140: {  	[sflag:s0] =	ssyncset.done $0x0  }
0x141: {  	[sflag:s0] =	ssyncadd.s32 $0xFFFFFE00  }
0x142: {  	_ =	swait.ge [sflag:s31], $0x200  }
0x143: {  	[sflag:s31] =	ssyncset.done $0x0  }
0x144: {  	[sflag:s31] =	ssyncadd.s32 $0xFFFFFE00  }
0x145: {  	_ =	swait.ge [sflag:s0], $0x200  }
0x146: {  	[sflag:s0] =	ssyncset.done $0x0  }
0x147: {  	[sflag:s0] =	ssyncadd.s32 $0xFFFFFE00  }
0x148: {  	[bflag:$0x0] =	sbarrier.arrive $0xFFFF  }
0x149: {  	s5 =	simm.s32 $0x6800;
	s4 =	rddreg [dreg:$0x3]  }
0x14a: {  	[tilespmem:s5], [sflag:$0x1] =	stream.indirect.gather [spmem:s4], $0x1, s1, s29, $0xb8;
	[tilespmem:$0x19238] =	vst v63  }
0x14b: {  	_ =	swait.ge [sflag:s31], $0x3400  }
0x14c: {  	[sflag:s31] =	ssyncset.done $0x0  }
0x14d: {  	[sflag:s31] =	ssyncadd.s32 $0xFFFFCC00  }
0x14e: {  	s3 =	simm.s32 $0x0;
	v0 =	vld.msk [tilespmem:$0x9E00 ss:$0x0], $0xffff  }
0x14f: {  	v1 =	vld [tilespmem:s3+$0x6800]  }
0x150: {  	v2 =	vld [tilespmem:s3+$0x3400]  }
0x151: {  	v3 =	vld [tilespmem:s3+$0x6A00]  }
0x152: {  	v4 =	vld [tilespmem:s3+$0x3600]  }
0x153: {  	v5 =	vld [tilespmem:s3+$0x6C00]  }
0x154: {  	v6 =	vld [tilespmem:s3+$0x3800]  }
0x155: {  	v7 =	vld [tilespmem:s3+$0x3A00];
	v1 =	vmul.f32 v2, v1  }
0x156: {  	v2 =	vld [tilespmem:s3+$0x6E00]  }
0x157: {  	v8 =	vld [tilespmem:s3+$0x3C00];
	v3 =	vmul.f32 v4, v3;
	v1 =	vadd.f32 $0.0e+00, v1  }
0x158: {  	v4 =	vld [tilespmem:s3+$0x7000]  }
0x159: {  	v1 =	vadd.f32 v3, v1;
	v3 =	vmul.f32 v6, v5;
	v5 =	vld [tilespmem:s3+$0x7200]  }
0x15a: {  	v6 =	vld [tilespmem:s3+$0x3E00]  }
0x15b: {  	v2 =	vmul.f32 v7, v2;
	v7 =	vld [tilespmem:s3+$0x4000];
	v1 =	vadd.f32 v3, v1  }
0x15c: {  	v3 =	vld [tilespmem:s3+$0x7400]  }
0x15d: {  	v1 =	vadd.f32 v2, v1;
	v2 =	vmul.f32 v8, v4;
	v4 =	vld [tilespmem:s3+$0x7600]  }
0x15e: {  	v8 =	vld [tilespmem:s3+$0x4200]  }
0x15f: {  	v1 =	vadd.f32 v2, v1;
	v2 =	vmul.f32 v6, v5;
	v5 =	vld [tilespmem:s3+$0x7800]  }
0x160: {  	v6 =	vld [tilespmem:s3+$0x4400]  }
0x161: {  	v1 =	vadd.f32 v2, v1;
	v2 =	vmul.f32 v7, v3;
	v3 =	vld [tilespmem:s3+$0x7A00]  }
0x162: {  	v7 =	vld [tilespmem:s3+$0x4600]  }
0x163: {  	v1 =	vadd.f32 v2, v1;
	v2 =	vmul.f32 v8, v4;
	v4 =	vld [tilespmem:s3+$0x7C00]  }
0x164: {  	v8 =	vld [tilespmem:s3+$0x4800]  }
0x165: {  	v1 =	vadd.f32 v2, v1;
	v2 =	vmul.f32 v6, v5;
	v5 =	vld [tilespmem:s3+$0x7E00]  }
0x166: {  	v6 =	vld [tilespmem:s3+$0x4A00]  }
0x167: {  	v1 =	vadd.f32 v2, v1;
	v2 =	vmul.f32 v7, v3;
	v3 =	vld [tilespmem:s3+$0x8000]  }
0x168: {  	v7 =	vld [tilespmem:s3+$0x4C00]  }
0x169: {  	v1 =	vadd.f32 v2, v1;
	v2 =	vmul.f32 v8, v4;
	v4 =	vld [tilespmem:s3+$0x8200]  }
0x16a: {  	v8 =	vld [tilespmem:s3+$0x4E00]  }
0x16b: {  	v1 =	vadd.f32 v2, v1;
	v2 =	vmul.f32 v6, v5;
	v5 =	vld [tilespmem:s3+$0x8400]  }
0x16c: {  	v6 =	vld [tilespmem:s3+$0x5000]  }
0x16d: {  	v1 =	vadd.f32 v2, v1;
	v2 =	vmul.f32 v7, v3;
	v3 =	vld [tilespmem:s3+$0x8600]  }
0x16e: {  	v7 =	vld [tilespmem:s3+$0x5200]  }
0x16f: {  	v1 =	vadd.f32 v2, v1;
	v2 =	vmul.f32 v8, v4;
	v4 =	vld [tilespmem:s3+$0x8800]  }
0x170: {  	v8 =	vld [tilespmem:s3+$0x5400]  }
0x171: {  	v1 =	vadd.f32 v2, v1;
	v2 =	vmul.f32 v6, v5;
	v5 =	vld [tilespmem:s3+$0x8A00]  }
0x172: {  	v6 =	vld [tilespmem:s3+$0x5600]  }
0x173: {  	v1 =	vadd.f32 v2, v1;
	v2 =	vmul.f32 v7, v3;
	v3 =	vld [tilespmem:s3+$0x8C00]  }
0x174: {  	v7 =	vld [tilespmem:s3+$0x5800]  }
0x175: {  	v1 =	vadd.f32 v2, v1;
	v2 =	vmul.f32 v8, v4;
	v4 =	vld [tilespmem:s3+$0x8E00]  }
0x176: {  	v8 =	vld [tilespmem:s3+$0x5A00]  }
0x177: {  	v1 =	vadd.f32 v2, v1;
	v2 =	vmul.f32 v6, v5;
	v5 =	vld [tilespmem:s3+$0x9000]  }
0x178: {  	v6 =	vld [tilespmem:s3+$0x5C00]  }
0x179: {  	v1 =	vadd.f32 v2, v1;
	v2 =	vmul.f32 v7, v3;
	v3 =	vld [tilespmem:s3+$0x9200]  }
0x17a: {  	v7 =	vld [tilespmem:s3+$0x5E00]  }
0x17b: {  	v9 =	vld [tilespmem:s3+$0x6000];
	v1 =	vadd.f32 v2, v1;
	v2 =	vmul.f32 v8, v4  }
0x17c: {  	v8 =	vld [tilespmem:s3+$0x9400]  }
0x17d: {  	v10 =	vld [tilespmem:s3+$0x9600];
	v1 =	vadd.f32 v2, v1;
	v2 =	vmul.f32 v6, v5  }
0x17e: {  	v11 =	vld [tilespmem:s3+$0x6200]  }
0x17f: {  	v4 =	vld [tilespmem:s3+$0x6400];
	v3 =	vmul.f32 v7, v3;
	v2 =	vadd.f32 v2, v1  }
0x180: {  	v1 =	vld [tilespmem:s3+$0x9800]  }
0x181: {  	v5 =	vld [tilespmem:s3+$0x6600];
	v7 =	vmul.f32 v9, v8;
	v6 =	vadd.f32 v3, v2  }
0x182: {  	s5 =	simm.s32 $0x10;
	v2 =	vld [tilespmem:s3+$0x9A00]  }
0x183: {  	s4 =	simm.s32 $0x80;
	v3 =	vld [tilespmem:s5+$0x6800];
	v6 =	vadd.f32 v7, v6;
	v7 =	vmul.f32 v11, v10  }
.LBB2_2:
0x184: {  	p1 =	sne.s32 s4, $0x7C0;
	v8 =	vld [tilespmem:s5+$0x3400]  }
0x185: {  	v9 =	vld [tilespmem:s5+$0x6A00];
	v6 =	vadd.f32 v7, v6;
	v1 =	vmul.f32 v4, v1  }
0x186: {  	v4 =	vld [tilespmem:s5+$0x3600]  }
0x187: {  	v7 =	vld [tilespmem:s5+$0x6C00];
	v1 =	vadd.f32 v1, v6;
	v2 =	vmul.f32 v5, v2  }
0x188: {  	v5 =	vld [tilespmem:s5+$0x3800]  }
0x189: {  	v3 =	vmul.f32 v8, v3;
	v6 =	vld [tilespmem:s5+$0x6E00];
	v1 =	vadd.f32 v2, v1  }
0x18a: {  	v2 =	vld [tilespmem:s5+$0x3A00]  }
0x18b: {  	v3 =	vadd.f32 $0.0e+00, v3;
	v4 =	vmul.f32 v4, v9;
	v8 =	vld [tilespmem:s5+$0x7000];
	v1 =	vadd.f32 v1, v0  }
0x18c: {  	v9 =	vld [tilespmem:s5+$0x3C00]  }
0x18d: {  	v3 =	vadd.f32 v4, v3;
	v4 =	vmul.f32 v5, v7;
	v5 =	vld [tilespmem:s5+$0x7200];
	[tilespmem:s3+$0x9C00] =	vst v1;
	s3 =	smov.u32 s5  }
0x18e: {  	v1 =	vld [tilespmem:s3+$0x3E00]  }
0x18f: {  	v3 =	vadd.f32 v4, v3;
	v2 =	vmul.f32 v2, v6;
	v4 =	vld [tilespmem:s3+$0x7400]  }
0x190: {  	v6 =	vld [tilespmem:s3+$0x4000]  }
0x191: {  	v2 =	vadd.f32 v2, v3;
	v3 =	vmul.f32 v9, v8;
	v7 =	vld [tilespmem:s3+$0x7600]  }
0x192: {  	v8 =	vld [tilespmem:s3+$0x4200]  }
0x193: {  	v2 =	vadd.f32 v3, v2;
	v1 =	vmul.f32 v1, v5;
	v3 =	vld [tilespmem:s3+$0x7800]  }
0x194: {  	v5 =	vld [tilespmem:s3+$0x4400]  }
0x195: {  	v1 =	vadd.f32 v1, v2;
	v2 =	vmul.f32 v6, v4;
	v4 =	vld [tilespmem:s3+$0x7A00]  }
0x196: {  	v6 =	vld [tilespmem:s3+$0x4600]  }
0x197: {  	v1 =	vadd.f32 v2, v1;
	v2 =	vmul.f32 v8, v7;
	v7 =	vld [tilespmem:s3+$0x7C00]  }
0x198: {  	v8 =	vld [tilespmem:s3+$0x4800]  }
0x199: {  	v1 =	vadd.f32 v2, v1;
	v2 =	vmul.f32 v5, v3;
	v3 =	vld [tilespmem:s3+$0x7E00]  }
0x19a: {  	v5 =	vld [tilespmem:s3+$0x4A00]  }
0x19b: {  	v1 =	vadd.f32 v2, v1;
	v2 =	vmul.f32 v6, v4;
	v4 =	vld [tilespmem:s3+$0x8000]  }
0x19c: {  	v6 =	vld [tilespmem:s3+$0x4C00]  }
0x19d: {  	v1 =	vadd.f32 v2, v1;
	v2 =	vmul.f32 v8, v7;
	v7 =	vld [tilespmem:s3+$0x8200]  }
0x19e: {  	v8 =	vld [tilespmem:s3+$0x4E00]  }
0x19f: {  	v1 =	vadd.f32 v2, v1;
	v2 =	vmul.f32 v5, v3;
	v3 =	vld [tilespmem:s3+$0x8400]  }
0x1a0: {  	v5 =	vld [tilespmem:s3+$0x5000]  }
0x1a1: {  	v1 =	vadd.f32 v2, v1;
	v2 =	vmul.f32 v6, v4;
	v4 =	vld [tilespmem:s3+$0x8600]  }
0x1a2: {  	v6 =	vld [tilespmem:s3+$0x5200]  }
0x1a3: {  	v1 =	vadd.f32 v2, v1;
	v2 =	vmul.f32 v8, v7;
	v7 =	vld [tilespmem:s3+$0x8800]  }
0x1a4: {  	v8 =	vld [tilespmem:s3+$0x5400]  }
0x1a5: {  	v1 =	vadd.f32 v2, v1;
	v2 =	vmul.f32 v5, v3;
	v3 =	vld [tilespmem:s3+$0x8A00]  }
0x1a6: {  	v5 =	vld [tilespmem:s3+$0x5600]  }
0x1a7: {  	v1 =	vadd.f32 v2, v1;
	v2 =	vmul.f32 v6, v4;
	v4 =	vld [tilespmem:s3+$0x8C00]  }
0x1a8: {  	v6 =	vld [tilespmem:s3+$0x5800]  }
0x1a9: {  	v1 =	vadd.f32 v2, v1;
	v2 =	vmul.f32 v8, v7;
	v7 =	vld [tilespmem:s3+$0x8E00]  }
0x1aa: {  	v8 =	vld [tilespmem:s3+$0x5A00]  }
0x1ab: {  	v1 =	vadd.f32 v2, v1;
	v2 =	vmul.f32 v5, v3;
	v3 =	vld [tilespmem:s3+$0x9000]  }
0x1ac: {  	v5 =	vld [tilespmem:s3+$0x5C00]  }
0x1ad: {  	v1 =	vadd.f32 v2, v1;
	v2 =	vmul.f32 v6, v4;
	v4 =	vld [tilespmem:s3+$0x9200]  }
0x1ae: {  	v6 =	vld [tilespmem:s3+$0x5E00]  }
0x1af: {  	v1 =	vadd.f32 v2, v1;
	v2 =	vmul.f32 v8, v7;
	v7 =	vld [tilespmem:s3+$0x9400]  }
0x1b0: {  	v8 =	vld [tilespmem:s3+$0x6000]  }
0x1b1: {  	v1 =	vadd.f32 v2, v1;
	v2 =	vmul.f32 v5, v3;
	v9 =	vld [tilespmem:s3+$0x9600]  }
0x1b2: {  	v10 =	vld [tilespmem:s3+$0x6200]  }
.Ltmp0:
0x1b3: {  	v2 =	vadd.f32 v2, v1;
	v3 =	vmul.f32 v6, v4;
	v1 =	vld [tilespmem:s3+$0x9800];
	(pc) =	sbr.rel @p1 .LBB2_2-.Ltmp0, $4  }
0x1b4: {  	v4 =	vld [tilespmem:s3+$0x6400]  }
0x1b5: {  	v6 =	vadd.f32 v3, v2;
	v7 =	vmul.f32 v8, v7;
	v2 =	vld [tilespmem:s3+$0x9A00]  }
0x1b6: {  	s5 =	sshra.s32 s4, $0x2;
	v5 =	vld [tilespmem:s3+$0x6600]  }
0x1b7: {  	s4 =	sadd.s32 $0x40, s4;
	v3 =	vld [tilespmem:s5+$0x6800];
	v6 =	vadd.f32 v7, v6;
	v7 =	vmul.f32 v10, v9  }
0x1b8: {  	v8 =	vld [tilespmem:s5+$0x3400]  }
0x1b9: {  	v9 =	vld [tilespmem:s5+$0x6A00];
	v6 =	vadd.f32 v7, v6;
	v1 =	vmul.f32 v4, v1  }
0x1ba: {  	v46 =	vld [tilespmem:s5+$0x3600]  }
0x1bb: {  	v47 =	vld [tilespmem:s5+$0x6C00];
	v1 =	vadd.f32 v1, v6;
	v2 =	vmul.f32 v5, v2  }
0x1bc: {  	v48 =	vld [tilespmem:s5+$0x3800]  }
0x1bd: {  	v49 =	vld [tilespmem:s5+$0x6E00];
	v3 =	vmul.f32 v8, v3;
	v1 =	vadd.f32 v2, v1  }
0x1be: {  	v50 =	vld [tilespmem:s5+$0x3A00]  }
0x1bf: {  	v51 =	vld [tilespmem:s5+$0x7000];
	v4 =	vmul.f32 v46, v9;
	v3 =	vadd.f32 $0.0e+00, v3;
	v1 =	vadd.f32 v1, v0  }
0x1c0: {  	v52 =	vld [tilespmem:s5+$0x3C00]  }
0x1c1: {  	v10 =	vld [tilespmem:s5+$0x7200];
	v53 =	vmul.f32 v48, v47;
	v3 =	vadd.f32 v4, v3;
	[tilespmem:s3+$0x9C00] =	vst v1  }
0x1c2: {  	v1 =	vld [tilespmem:s5+$0x3E00]  }
0x1c3: {  	v2 =	vmul.f32 v50, v49;
	v54 =	vld [tilespmem:s5+$0x7400];
	v3 =	vadd.f32 v53, v3  }
0x1c4: {  	v55 =	vld [tilespmem:s5+$0x4000]  }
0x1c5: {  	v56 =	vmul.f32 v52, v51;
	v57 =	vld [tilespmem:s5+$0x7600];
	v2 =	vadd.f32 v2, v3  }
0x1c6: {  	v58 =	vld [tilespmem:s5+$0x4200]  }
0x1c7: {  	v59 =	vld [tilespmem:s5+$0x7800];
	v2 =	vadd.f32 v56, v2;
	v1 =	vmul.f32 v1, v10  }
0x1c8: {  	v60 =	vld [tilespmem:s5+$0x4400]  }
0x1c9: {  	v62 =	vld [tilespmem:s5+$0x7A00];
	v61 =	vmul.f32 v55, v54;
	v1 =	vadd.f32 v1, v2  }
0x1ca: {  	v63 =	vld [tilespmem:s5+$0x4600]  }
0x1cb: {  	v13 =	vld [tilespmem:s5+$0x7C00];
	v12 =	vmul.f32 v58, v57;
	v1 =	vadd.f32 v61, v1  }
0x1cc: {  	v14 =	vld [tilespmem:s5+$0x4800]  }
0x1cd: {  	v16 =	vld [tilespmem:s5+$0x7E00];
	v15 =	vmul.f32 v60, v59;
	v1 =	vadd.f32 v12, v1  }
0x1ce: {  	v17 =	vld [tilespmem:s5+$0x4A00]  }
0x1cf: {  	v19 =	vld [tilespmem:s5+$0x8000];
	v18 =	vmul.f32 v63, v62;
	v1 =	vadd.f32 v15, v1  }
0x1d0: {  	v20 =	vld [tilespmem:s5+$0x4C00]  }
0x1d1: {  	v22 =	vld [tilespmem:s5+$0x8200];
	v21 =	vmul.f32 v14, v13;
	v1 =	vadd.f32 v18, v1  }
0x1d2: {  	v23 =	vld [tilespmem:s5+$0x4E00]  }
0x1d3: {  	v25 =	vld [tilespmem:s5+$0x8400];
	v24 =	vmul.f32 v17, v16;
	v1 =	vadd.f32 v21, v1  }
0x1d4: {  	v26 =	vld [tilespmem:s5+$0x5000]  }
0x1d5: {  	v28 =	vld [tilespmem:s5+$0x8600];
	v27 =	vmul.f32 v20, v19;
	v1 =	vadd.f32 v24, v1  }
0x1d6: {  	v29 =	vld [tilespmem:s5+$0x5200]  }
0x1d7: {  	v31 =	vld [tilespmem:s5+$0x8800];
	v30 =	vmul.f32 v23, v22;
	v1 =	vadd.f32 v27, v1  }
0x1d8: {  	v32 =	vld [tilespmem:s5+$0x5400]  }
0x1d9: {  	v34 =	vld [tilespmem:s5+$0x8A00];
	v33 =	vmul.f32 v26, v25;
	v1 =	vadd.f32 v30, v1  }
0x1da: {  	v35 =	vld [tilespmem:s5+$0x5600]  }
0x1db: {  	v37 =	vld [tilespmem:s5+$0x8C00];
	v36 =	vmul.f32 v29, v28;
	v1 =	vadd.f32 v33, v1  }
0x1dc: {  	v38 =	vld [tilespmem:s5+$0x5800]  }
0x1dd: {  	v40 =	vld [tilespmem:s5+$0x8E00];
	v39 =	vmul.f32 v32, v31;
	v1 =	vadd.f32 v36, v1  }
0x1de: {  	v41 =	vld [tilespmem:s5+$0x5A00]  }
0x1df: {  	v43 =	vld [tilespmem:s5+$0x9000];
	v42 =	vmul.f32 v35, v34;
	v1 =	vadd.f32 v39, v1  }
0x1e0: {  	v44 =	vld [tilespmem:s5+$0x5C00]  }
0x1e1: {  	v46 =	vld [tilespmem:s5+$0x9200];
	v45 =	vmul.f32 v38, v37;
	v1 =	vadd.f32 v42, v1  }
0x1e2: {  	v47 =	vld [tilespmem:s5+$0x5E00]  }
0x1e3: {  	v49 =	vld [tilespmem:s5+$0x9400];
	v48 =	vmul.f32 v41, v40;
	v1 =	vadd.f32 v45, v1  }
0x1e4: {  	v50 =	vld [tilespmem:s5+$0x6000]  }
0x1e5: {  	v52 =	vld [tilespmem:s5+$0x9600];
	v51 =	vmul.f32 v44, v43;
	v1 =	vadd.f32 v48, v1  }
0x1e6: {  	v53 =	vld [tilespmem:s5+$0x6200]  }
0x1e7: {  	v54 =	vmul.f32 v47, v46;
	v55 =	vld [tilespmem:s5+$0x9800];
	v1 =	vadd.f32 v51, v1  }
0x1e8: {  	v56 =	vld [tilespmem:s5+$0x6400]  }
0x1e9: {  	v57 =	vmul.f32 v50, v49;
	v58 =	vld [tilespmem:s5+$0x9A00];
	v1 =	vadd.f32 v54, v1  }
0x1ea: {  	v59 =	vld [tilespmem:s5+$0x6600]  }
0x1eb: {  	v60 =	vmul.f32 v53, v52;
	v1 =	vadd.f32 v57, v1;
	_ =	sdelay $0x1  }
0x1ec: {  	v61 =	vmul.f32 v56, v55;
	v1 =	vadd.f32 v60, v1;
	_ =	sdelay $0x1  }
0x1ed: {  	v62 =	vmul.f32 v59, v58;
	v1 =	vadd.f32 v61, v1;
	_ =	sdelay $0x1  }
0x1ee: {  	v1 =	vadd.f32 v62, v1;
	_ =	sdelay $0x1  }
0x1ef: {  	s2 =	sadd.s32 $0x1, s2;
	v63 =	vadd.f32 v1, v0  }
0x1f0: {  	p1 =	sne.s32 s2, s26  }
.Ltmp1:
0x1f1: {  	[tilespmem:s5+$0x9C00] =	vst v63;
	s5 =	simm.s32 $0x9C00;
	(pc) =	sbr.rel @p1 .LBB2_1-.Ltmp1, $4  }
0x1f2: {  	[hbm4b:s24+s1] =	stream.linear.scatter [tilespmem:s5], [sflag:$0x3], $0x200, $0x38;
	[tilespmem:$0x19238] =	vst v63  }
0x1f3: {  	_ =	swait.ge [sflag:s30], $0x200  }
0x1f4: {  	[sflag:s30] =	ssyncset.done $0x0  }
0x1f5: {  	[sflag:s30] =	ssyncadd.s32 $0xFFFFFE00  }
0x1f6: {  	_ =	sfence.sel $0x180000  }
0x1f7: {  	[bflag:$0x0] =	sbarrier.arrive $0xFFFF  }
0x1f8: {  	_ =	strace $0x90000047  }
0x1f9: {  	s0 =	stileid.u32;
	[bflag:$0x2] =	sbarrier.arrive $0xFFFF  }
0x1fa: {  	p0 =	sne.s32 s0, $0x0;
	s0 =	rddreg [dreg:$0x4]  }
0x1fb: {  	s0 =	sadd.s32 @!p0 $0x100000, s0  }
0x1fc: {  	[sflag:s0] =	ssyncadd.tile.s32 @!p0 $0x1;
	_ =	shalt  }
.Lfunc_end2:
_tile_overlayer_lowered:
.L_overlay_start_2:
0x1fd: {  	(tag) =	ssettag $0x2  }
0x1fe: {  	s0 =	rddreg [dreg:$0x0];
	s2 =	stileid.u32  }
0x1ff: {  	s1 =	rddreg [dreg:$0x1];
	p0 =	sne.s32 s2, $0x0  }
0x200: {  	s3 =	rddreg [dreg:$0x2];
	[bflag:$0x3] =	sbarrier.arrive $0xFFFF;
	s2 =	simm.s32 @!p0 $0x1C03  }
0x201: {  	[timem:s3], [sflag:s2] =	dma.local @!p0 [hbm:s0], s1  }
0x202: {  	s0 =	simm.s32 @!p0 $0x3  }
0x203: {  	_ =	swait.ge @!p0 [sflag:s0], s1  }
0x204: {  	s1 =	ssub.s32 @!p0 $0x0, s1;
	[sflag:s0] =	ssyncset.done @!p0 $0x0  }
0x205: {  	[sflag:s0] =	ssyncadd.s32 @!p0 s1  }
0x206: {  	[bflag:$0x3] =	sbarrier.arrive $0xFFFF  }
0x207: {  	_ =	shalt  }

</sc_bundles>
